<compile_context>
chip_gen: v7x
topology: tpu7x:2x2x1
jax: 0.10.2.dev20260603
libtpu: 0.0.44.dev20260713+nightly
codegen_flags: <defaults>
</compile_context>

<pallas_src>
import functools

import jax
import jax.numpy as jnp
from jax import lax
from jax.experimental import pallas as pl
from jax.experimental.pallas import tpu as pltpu
from jax.experimental.pallas import tpu_sc as plsc

BATCH = 16384
EMBED = 32
HIDDEN = 256

_NC, _NS = 2, 16
_NW = _NC * _NS
_B_PER_W = BATCH // _NW
_ICHUNK = 128
_NICHUNK = _B_PER_W // _ICHUNK


def _sc_gather(user_id, movie_id, utab128, mtab128):
    mesh = plsc.VectorSubcoreMesh(core_axis_name="c", subcore_axis_name="s")

    @functools.partial(
        pl.kernel,
        mesh=mesh,
        out_type=[
            pltpu.HBM((BATCH, 128), jnp.float32),
            pltpu.HBM((BATCH, 128), jnp.float32),
        ],
        scratch_types=[
            pltpu.VMEM((_B_PER_W,), jnp.int32),
            pltpu.VMEM((_B_PER_W,), jnp.int32),
            pltpu.VMEM((2, _ICHUNK, 128), jnp.float32),
            pltpu.VMEM((2, _ICHUNK, 128), jnp.float32),
            pltpu.SemaphoreType.DMA,
        ],
    )
    def k(uid_hbm, mid_hbm, utab_hbm, mtab_hbm, uout_hbm, mout_hbm,
          uidx_v, midx_v, ulines_v, mlines_v, sem):
        wid = lax.axis_index("s") * _NC + lax.axis_index("c")
        base = wid * _B_PER_W
        pltpu.sync_copy(uid_hbm.at[pl.ds(base, _B_PER_W)], uidx_v)
        pltpu.sync_copy(mid_hbm.at[pl.ds(base, _B_PER_W)], midx_v)

        def fire(c):
            sl = pl.ds(c * _ICHUNK, _ICHUNK)
            buf = c % 2
            ucp = pltpu.async_copy(
                utab_hbm.at[uidx_v.at[sl]], ulines_v.at[buf], sem)
            mcp = pltpu.async_copy(
                mtab_hbm.at[midx_v.at[sl]], mlines_v.at[buf], sem)
            return ucp, mcp

        cps = fire(0)
        for c in range(_NICHUNK):
            nxt = fire(c + 1) if c + 1 < _NICHUNK else None
            buf = c % 2
            out_sl = pl.ds(base + c * _ICHUNK, _ICHUNK)
            cps[0].wait()
            pltpu.sync_copy(ulines_v.at[buf], uout_hbm.at[out_sl])
            cps[1].wait()
            pltpu.sync_copy(mlines_v.at[buf], mout_hbm.at[out_sl])
            cps = nxt

    return k(user_id, movie_id, utab128, mtab128)


def _mlp_body(u_ref, m_ref, uoh_ref, moh_ref, w1u_ref, w1m_ref, b1_ref,
              w2_ref, b2_ref, o_ref):
    uoh = uoh_ref[...]
    moh = moh_ref[...]
    xu = (uoh[:, 0:1] * u_ref[:, :EMBED]
          + uoh[:, 1:2] * u_ref[:, EMBED:2 * EMBED])
    xm = (moh[:, 0:1] * m_ref[:, :EMBED]
          + moh[:, 1:2] * m_ref[:, EMBED:2 * EMBED])
    x = (jnp.dot(xu, w1u_ref[...],
                 preferred_element_type=jnp.float32)
         + jnp.dot(xm, w1m_ref[...],
                   preferred_element_type=jnp.float32)
         + b1_ref[...])
    h = jnp.maximum(x, 0.0)
    o_ref[...] = (jnp.dot(h, w2_ref[...], preferred_element_type=jnp.float32)
                  + b2_ref[...])


def _tc_mlp(u128, m128, uoh, moh, W1u, W1m, b1, W2, b2, block_m=2048):
    grid = (BATCH // block_m,)
    return pl.pallas_call(
        _mlp_body,
        grid=grid,
        in_specs=[
            pl.BlockSpec((block_m, 128), lambda i: (i, 0)),
            pl.BlockSpec((block_m, 128), lambda i: (i, 0)),
            pl.BlockSpec((block_m, 2), lambda i: (i, 0)),
            pl.BlockSpec((block_m, 2), lambda i: (i, 0)),
            pl.BlockSpec((EMBED, HIDDEN), lambda i: (0, 0)),
            pl.BlockSpec((EMBED, HIDDEN), lambda i: (0, 0)),
            pl.BlockSpec((1, HIDDEN), lambda i: (0, 0)),
            pl.BlockSpec((HIDDEN, 1), lambda i: (0, 0)),
            pl.BlockSpec((1, 1), lambda i: (0, 0)),
        ],
        out_specs=pl.BlockSpec((block_m, 1), lambda i: (i, 0)),
        out_shape=jax.ShapeDtypeStruct((BATCH, 1), jnp.float32),
    )(u128, m128, uoh, moh, W1u, W1m, b1, W2, b2)


def kernel(user_id, movie_title, user_table, movie_table, W1, b1, W2, b2):
    uid = user_id.astype(jnp.int32)
    mid = movie_title.astype(jnp.int32)
    utab128 = jnp.pad(user_table.reshape(-1, 2 * EMBED),
                      ((0, 0), (0, 128 - 2 * EMBED)))
    mtab128 = jnp.pad(movie_table.reshape(-1, 2 * EMBED),
                      ((0, 0), (0, 128 - 2 * EMBED)))
    ug = lax.shift_right_logical(uid, 1)
    mg = lax.shift_right_logical(mid, 1)
    u128, m128 = _sc_gather(ug, mg, utab128, mtab128)
    r2 = jnp.arange(2, dtype=jnp.int32)
    uoh = (jnp.bitwise_and(uid, 1)[:, None] == r2).astype(jnp.float32)
    moh = (jnp.bitwise_and(mid, 1)[:, None] == r2).astype(jnp.float32)
    W1u = W1[:EMBED]
    W1m = W1[EMBED:]
    return _tc_mlp(u128, m128, uoh, moh, W1u, W1m,
                   b1.reshape(1, HIDDEN), W2, b2.reshape(1, 1))

# --- scband reference (transcript-rebuilt; emitter-appended) ---
"""Pipeline reference for scband-ranking-model-39616778338347 (READ-ONLY COPY).

The authoritative reference and input builder live on the scoring server;
editing this copy changes nothing except your own understanding.
"""

import jax, jax.numpy as jnp
import numpy as np

NUM_USERS = 1000000
NUM_MOVIES = 100000
EMBED_DIM = 32
HIDDEN = 256
BATCH = 16384

def setup_inputs(seed: int = 0) -> dict:
    key = jax.random.key(seed)
    k1, k2, k3, k4, k5, k6 = jax.random.split(key, 6)
    user_id = jax.random.randint(k1, (BATCH,), 0, NUM_USERS, dtype=jnp.int64 if jax.config.jax_enable_x64 else jnp.int32)
    movie_title = jax.random.randint(k2, (BATCH,), 0, NUM_MOVIES, dtype=jnp.int64 if jax.config.jax_enable_x64 else jnp.int32)
    user_table = jax.random.normal(k3, (NUM_USERS, EMBED_DIM), dtype=jnp.float32) * 0.05
    movie_table = jax.random.normal(k4, (NUM_MOVIES, EMBED_DIM), dtype=jnp.float32) * 0.05
    W1 = jax.random.normal(k5, (2 * EMBED_DIM, HIDDEN), dtype=jnp.float32) * (1.0 / np.sqrt(2 * EMBED_DIM))
    b1 = jnp.zeros((HIDDEN,), dtype=jnp.float32)
    W2 = jax.random.normal(k6, (HIDDEN, 1), dtype=jnp.float32) * (1.0 / np.sqrt(HIDDEN))
    b2 = jnp.zeros((1,), dtype=jnp.float32)
    return {"user_id": user_id, "movie_title": movie_title, "user_table": user_table, "movie_table": movie_table, "W1": W1, "b1": b1, "W2": W2, "b2": b2}

def reference(user_id, movie_title, user_table, movie_table, W1, b1, W2, b2):
    user_emb = jnp.take(user_table, user_id, axis=0)
    movie_emb = jnp.take(movie_table, movie_title, axis=0)
    x = jnp.concatenate([user_emb, movie_emb], axis=1)
    h = jax.nn.relu(x @ W1 + b1)
    out = h @ W2 + b2
    return out

if __name__ == "__main__":
    import jax
    _d = setup_inputs()
    print(jax.jit(kernel)(*tuple(_d.values())))

</pallas_src>

<mosaic_0001>
#map = affine_map<(d0, d1) -> (0)>
#map1 = affine_map<(d0, d1) -> (0, 0)>
module attributes {stable_mosaic.version = 14 : i64} {
  func.func @k(%arg0: i32, %arg1: i32, %arg2: memref<16384xi32, #tpu.memory_space<hbm>>, %arg3: memref<16384xi32, #tpu.memory_space<hbm>>, %arg4: memref<500000x128xf32, #tpu.memory_space<hbm>>, %arg5: memref<50000x128xf32, #tpu.memory_space<hbm>>, %arg6: memref<16384x128xf32, #tpu.memory_space<hbm>>, %arg7: memref<16384x128xf32, #tpu.memory_space<hbm>>, %arg8: memref<512xi32, #tpu.memory_space<vmem>>, %arg9: memref<512xi32, #tpu.memory_space<vmem>>, %arg10: memref<2x128x128xf32, #tpu.memory_space<vmem>>, %arg11: memref<2x128x128xf32, #tpu.memory_space<vmem>>, %arg12: memref<!tpu.dma_semaphore, #tpu.memory_space<semaphore_mem>>) attributes {dimension_semantics = [#tpu.dimension_semantics<core_parallel>, #tpu.dimension_semantics<subcore_parallel>], iteration_bounds = array<i64: 2, 16>, scalar_prefetch = 0 : i64, scratch_operands = 5 : i64, tpu.core_type = #tpu.core_type<sc_vector_subcore>, window_params = [{transform_indices = #map}, {transform_indices = #map}, {transform_indices = #map1}, {transform_indices = #map1}, {transform_indices = #map1}, {transform_indices = #map1}]} {
    %mul3A = arith.constant 2 : i32
    %mul3A_0 = arith.muli %arg1, %mul3A : i32
    %add3A = arith.addi %mul3A_0, %arg0 : i32
    %mul3A_1 = arith.constant 512 : i32
    %mul3A_2 = arith.muli %add3A, %mul3A_1 : i32
    "tpu.region"() ({
      %run_scoped3A_176 = tpu.sem_alloc : memref<!tpu.dma_semaphore, #tpu.memory_space<semaphore_mem>>
      %dma_start3A_177 = tpu.memref_slice %arg2[%mul3A_2] : memref<16384xi32, #tpu.memory_space<hbm>> -> memref<512xi32, #tpu.memory_space<hbm>>
      %dma_start3A_178 = tpu.memref_slice %arg2[%mul3A_2] : memref<16384xi32, #tpu.memory_space<hbm>> -> memref<512xi32, #tpu.memory_space<hbm>>
      tpu.enqueue_dma source(%dma_start3A_178 : memref<512xi32, #tpu.memory_space<hbm>>) target(%arg8 : memref<512xi32, #tpu.memory_space<vmem>>) target_semaphore(%run_scoped3A_176 : memref<!tpu.dma_semaphore, #tpu.memory_space<semaphore_mem>>)
      %dma_wait3A_179 = tpu.memref_slice %arg2[%mul3A_2] : memref<16384xi32, #tpu.memory_space<hbm>> -> memref<512xi32, #tpu.memory_space<hbm>>
      %dma_wait3A_180 = tpu.memref_slice %arg2[%mul3A_2] : memref<16384xi32, #tpu.memory_space<hbm>> -> memref<512xi32, #tpu.memory_space<hbm>>
      tpu.wait_dma2 semaphore(%run_scoped3A_176 : memref<!tpu.dma_semaphore, #tpu.memory_space<semaphore_mem>>) src(%dma_wait3A_180 : memref<512xi32, #tpu.memory_space<hbm>>) dst(%arg8 : memref<512xi32, #tpu.memory_space<vmem>>)
      tpu.yield
    }) : () -> ()
    "tpu.region"() ({
      %run_scoped3A_176 = tpu.sem_alloc : memref<!tpu.dma_semaphore, #tpu.memory_space<semaphore_mem>>
      %dma_start3A_177 = tpu.memref_slice %arg3[%mul3A_2] : memref<16384xi32, #tpu.memory_space<hbm>> -> memref<512xi32, #tpu.memory_space<hbm>>
      %dma_start3A_178 = tpu.memref_slice %arg3[%mul3A_2] : memref<16384xi32, #tpu.memory_space<hbm>> -> memref<512xi32, #tpu.memory_space<hbm>>
      tpu.enqueue_dma source(%dma_start3A_178 : memref<512xi32, #tpu.memory_space<hbm>>) target(%arg9 : memref<512xi32, #tpu.memory_space<vmem>>) target_semaphore(%run_scoped3A_176 : memref<!tpu.dma_semaphore, #tpu.memory_space<semaphore_mem>>)
      %dma_wait3A_179 = tpu.memref_slice %arg3[%mul3A_2] : memref<16384xi32, #tpu.memory_space<hbm>> -> memref<512xi32, #tpu.memory_space<hbm>>
      %dma_wait3A_180 = tpu.memref_slice %arg3[%mul3A_2] : memref<16384xi32, #tpu.memory_space<hbm>> -> memref<512xi32, #tpu.memory_space<hbm>>
      tpu.wait_dma2 semaphore(%run_scoped3A_176 : memref<!tpu.dma_semaphore, #tpu.memory_space<semaphore_mem>>) src(%dma_wait3A_180 : memref<512xi32, #tpu.memory_space<hbm>>) dst(%arg9 : memref<512xi32, #tpu.memory_space<vmem>>)
      tpu.yield
    }) : () -> ()
    %dma_start3A = arith.constant 0 : i32
    %dma_start3A_3 = arith.constant 0 : i32
    %dma_start3A_4 = arith.constant 0 : i32
    %dma_start3A_5 = tpu.memref_slice %arg10[%dma_start3A, %dma_start3A_3, %dma_start3A_4] : memref<2x128x128xf32, #tpu.memory_space<vmem>> -> memref<1x128x128xf32, #tpu.memory_space<vmem>>
    %dma_start3A_6 = tpu.memref_squeeze %dma_start3A_5 : memref<1x128x128xf32, #tpu.memory_space<vmem>> -> memref<128x128xf32, #tpu.memory_space<vmem>>
    %dma_start3A_7 = arith.constant 0 : i32
    %dma_start3A_8 = tpu.memref_slice %arg8[%dma_start3A_7] : memref<512xi32, #tpu.memory_space<vmem>> -> memref<128xi32, #tpu.memory_space<vmem>>
    %dma_start3A_9 = arith.constant 0 : i32
    %dma_start3A_10 = arith.constant 0 : i32
    %dma_start3A_11 = tpu.memref_slice %arg4[%dma_start3A_9, %dma_start3A_10] : memref<500000x128xf32, #tpu.memory_space<hbm>> -> memref<500000x128xf32, #tpu.memory_space<hbm>>
    tpu.enqueue_indirect_dma source(%dma_start3A_11 : memref<500000x128xf32, #tpu.memory_space<hbm>>) target(%dma_start3A_6 : memref<128x128xf32, #tpu.memory_space<vmem>>) offsets(%dma_start3A_8 : memref<128xi32, #tpu.memory_space<vmem>>) semaphore(%arg12 : memref<!tpu.dma_semaphore, #tpu.memory_space<semaphore_mem>>)
    %dma_start3A_12 = arith.constant 0 : i32
    %dma_start3A_13 = arith.constant 0 : i32
    %dma_start3A_14 = arith.constant 0 : i32
    %dma_start3A_15 = tpu.memref_slice %arg11[%dma_start3A_12, %dma_start3A_13, %dma_start3A_14] : memref<2x128x128xf32, #tpu.memory_space<vmem>> -> memref<1x128x128xf32, #tpu.memory_space<vmem>>
    %dma_start3A_16 = tpu.memref_squeeze %dma_start3A_15 : memref<1x128x128xf32, #tpu.memory_space<vmem>> -> memref<128x128xf32, #tpu.memory_space<vmem>>
    %dma_start3A_17 = arith.constant 0 : i32
    %dma_start3A_18 = tpu.memref_slice %arg9[%dma_start3A_17] : memref<512xi32, #tpu.memory_space<vmem>> -> memref<128xi32, #tpu.memory_space<vmem>>
    %dma_start3A_19 = arith.constant 0 : i32
    %dma_start3A_20 = arith.constant 0 : i32
    %dma_start3A_21 = tpu.memref_slice %arg5[%dma_start3A_19, %dma_start3A_20] : memref<50000x128xf32, #tpu.memory_space<hbm>> -> memref<50000x128xf32, #tpu.memory_space<hbm>>
    tpu.enqueue_indirect_dma source(%dma_start3A_21 : memref<50000x128xf32, #tpu.memory_space<hbm>>) target(%dma_start3A_16 : memref<128x128xf32, #tpu.memory_space<vmem>>) offsets(%dma_start3A_18 : memref<128xi32, #tpu.memory_space<vmem>>) semaphore(%arg12 : memref<!tpu.dma_semaphore, #tpu.memory_space<semaphore_mem>>)
    %dma_start3A_22 = arith.constant 1 : i32
    %dma_start3A_23 = arith.constant 0 : i32
    %dma_start3A_24 = arith.constant 0 : i32
    %dma_start3A_25 = tpu.memref_slice %arg10[%dma_start3A_22, %dma_start3A_23, %dma_start3A_24] : memref<2x128x128xf32, #tpu.memory_space<vmem>> -> memref<1x128x128xf32, #tpu.memory_space<vmem>>
    %dma_start3A_26 = tpu.memref_squeeze %dma_start3A_25 : memref<1x128x128xf32, #tpu.memory_space<vmem>> -> memref<128x128xf32, #tpu.memory_space<vmem>>
    %dma_start3A_27 = arith.constant 128 : i32
    %dma_start3A_28 = tpu.memref_slice %arg8[%dma_start3A_27] : memref<512xi32, #tpu.memory_space<vmem>> -> memref<128xi32, #tpu.memory_space<vmem>>
    %dma_start3A_29 = arith.constant 0 : i32
    %dma_start3A_30 = arith.constant 0 : i32
    %dma_start3A_31 = tpu.memref_slice %arg4[%dma_start3A_29, %dma_start3A_30] : memref<500000x128xf32, #tpu.memory_space<hbm>> -> memref<500000x128xf32, #tpu.memory_space<hbm>>
    tpu.enqueue_indirect_dma source(%dma_start3A_31 : memref<500000x128xf32, #tpu.memory_space<hbm>>) target(%dma_start3A_26 : memref<128x128xf32, #tpu.memory_space<vmem>>) offsets(%dma_start3A_28 : memref<128xi32, #tpu.memory_space<vmem>>) semaphore(%arg12 : memref<!tpu.dma_semaphore, #tpu.memory_space<semaphore_mem>>)
    %dma_start3A_32 = arith.constant 1 : i32
    %dma_start3A_33 = arith.constant 0 : i32
    %dma_start3A_34 = arith.constant 0 : i32
    %dma_start3A_35 = tpu.memref_slice %arg11[%dma_start3A_32, %dma_start3A_33, %dma_start3A_34] : memref<2x128x128xf32, #tpu.memory_space<vmem>> -> memref<1x128x128xf32, #tpu.memory_space<vmem>>
    %dma_start3A_36 = tpu.memref_squeeze %dma_start3A_35 : memref<1x128x128xf32, #tpu.memory_space<vmem>> -> memref<128x128xf32, #tpu.memory_space<vmem>>
    %dma_start3A_37 = arith.constant 128 : i32
    %dma_start3A_38 = tpu.memref_slice %arg9[%dma_start3A_37] : memref<512xi32, #tpu.memory_space<vmem>> -> memref<128xi32, #tpu.memory_space<vmem>>
    %dma_start3A_39 = arith.constant 0 : i32
    %dma_start3A_40 = arith.constant 0 : i32
    %dma_start3A_41 = tpu.memref_slice %arg5[%dma_start3A_39, %dma_start3A_40] : memref<50000x128xf32, #tpu.memory_space<hbm>> -> memref<50000x128xf32, #tpu.memory_space<hbm>>
    tpu.enqueue_indirect_dma source(%dma_start3A_41 : memref<50000x128xf32, #tpu.memory_space<hbm>>) target(%dma_start3A_36 : memref<128x128xf32, #tpu.memory_space<vmem>>) offsets(%dma_start3A_38 : memref<128xi32, #tpu.memory_space<vmem>>) semaphore(%arg12 : memref<!tpu.dma_semaphore, #tpu.memory_space<semaphore_mem>>)
    %add3A_42 = arith.constant 0 : i32
    %add3A_43 = arith.addi %mul3A_2, %add3A_42 : i32
    %dma_wait3A = arith.constant 0 : i32
    %dma_wait3A_44 = arith.constant 0 : i32
    %dma_wait3A_45 = arith.constant 0 : i32
    %dma_wait3A_46 = tpu.memref_slice %arg10[%dma_wait3A, %dma_wait3A_44, %dma_wait3A_45] : memref<2x128x128xf32, #tpu.memory_space<vmem>> -> memref<1x128x128xf32, #tpu.memory_space<vmem>>
    %dma_wait3A_47 = tpu.memref_squeeze %dma_wait3A_46 : memref<1x128x128xf32, #tpu.memory_space<vmem>> -> memref<128x128xf32, #tpu.memory_space<vmem>>
    %dma_wait3A_48 = arith.constant 0 : i32
    %dma_wait3A_49 = tpu.memref_slice %arg8[%dma_wait3A_48] : memref<512xi32, #tpu.memory_space<vmem>> -> memref<128xi32, #tpu.memory_space<vmem>>
    %dma_wait3A_50 = arith.constant 0 : i32
    %dma_wait3A_51 = arith.constant 0 : i32
    %dma_wait3A_52 = tpu.memref_slice %arg4[%dma_wait3A_50, %dma_wait3A_51] : memref<500000x128xf32, #tpu.memory_space<hbm>> -> memref<500000x128xf32, #tpu.memory_space<hbm>>
    tpu.wait_indirect_dma semaphore(%arg12 : memref<!tpu.dma_semaphore, #tpu.memory_space<semaphore_mem>>) src(%dma_wait3A_52 : memref<500000x128xf32, #tpu.memory_space<hbm>>) dst(%dma_wait3A_47 : memref<128x128xf32, #tpu.memory_space<vmem>>)
    %run_scoped3A = arith.constant 0 : i32
    "tpu.region"() ({
      %run_scoped3A_176 = tpu.sem_alloc : memref<!tpu.dma_semaphore, #tpu.memory_space<semaphore_mem>>
      %dma_start3A_177 = arith.constant 0 : i32
      %dma_start3A_178 = arith.constant 0 : i32
      %dma_start3A_179 = tpu.memref_slice %arg10[%run_scoped3A, %dma_start3A_177, %dma_start3A_178] : memref<2x128x128xf32, #tpu.memory_space<vmem>> -> memref<1x128x128xf32, #tpu.memory_space<vmem>>
      %dma_start3A_180 = tpu.memref_squeeze %dma_start3A_179 : memref<1x128x128xf32, #tpu.memory_space<vmem>> -> memref<128x128xf32, #tpu.memory_space<vmem>>
      %dma_start3A_181 = arith.constant 0 : i32
      %dma_start3A_182 = tpu.memref_slice %arg6[%add3A_43, %dma_start3A_181] : memref<16384x128xf32, #tpu.memory_space<hbm>> -> memref<128x128xf32, #tpu.memory_space<hbm>>
      %dma_start3A_183 = arith.constant 0 : i32
      %dma_start3A_184 = tpu.memref_slice %arg6[%add3A_43, %dma_start3A_183] : memref<16384x128xf32, #tpu.memory_space<hbm>> -> memref<128x128xf32, #tpu.memory_space<hbm>>
      %dma_start3A_185 = arith.constant 0 : i32
      %dma_start3A_186 = arith.constant 0 : i32
      %dma_start3A_187 = tpu.memref_slice %arg10[%run_scoped3A, %dma_start3A_185, %dma_start3A_186] : memref<2x128x128xf32, #tpu.memory_space<vmem>> -> memref<1x128x128xf32, #tpu.memory_space<vmem>>
      %dma_start3A_188 = tpu.memref_squeeze %dma_start3A_187 : memref<1x128x128xf32, #tpu.memory_space<vmem>> -> memref<128x128xf32, #tpu.memory_space<vmem>>
      tpu.enqueue_dma source(%dma_start3A_188 : memref<128x128xf32, #tpu.memory_space<vmem>>) target(%dma_start3A_184 : memref<128x128xf32, #tpu.memory_space<hbm>>) target_semaphore(%run_scoped3A_176 : memref<!tpu.dma_semaphore, #tpu.memory_space<semaphore_mem>>)
      %dma_wait3A_189 = arith.constant 0 : i32
      %dma_wait3A_190 = arith.constant 0 : i32
      %dma_wait3A_191 = tpu.memref_slice %arg10[%run_scoped3A, %dma_wait3A_189, %dma_wait3A_190] : memref<2x128x128xf32, #tpu.memory_space<vmem>> -> memref<1x128x128xf32, #tpu.memory_space<vmem>>
      %dma_wait3A_192 = tpu.memref_squeeze %dma_wait3A_191 : memref<1x128x128xf32, #tpu.memory_space<vmem>> -> memref<128x128xf32, #tpu.memory_space<vmem>>
      %dma_wait3A_193 = arith.constant 0 : i32
      %dma_wait3A_194 = tpu.memref_slice %arg6[%add3A_43, %dma_wait3A_193] : memref<16384x128xf32, #tpu.memory_space<hbm>> -> memref<128x128xf32, #tpu.memory_space<hbm>>
      %dma_wait3A_195 = arith.constant 0 : i32
      %dma_wait3A_196 = tpu.memref_slice %arg6[%add3A_43, %dma_wait3A_195] : memref<16384x128xf32, #tpu.memory_space<hbm>> -> memref<128x128xf32, #tpu.memory_space<hbm>>
      %dma_wait3A_197 = arith.constant 0 : i32
      %dma_wait3A_198 = arith.constant 0 : i32
      %dma_wait3A_199 = tpu.memref_slice %arg10[%run_scoped3A, %dma_wait3A_197, %dma_wait3A_198] : memref<2x128x128xf32, #tpu.memory_space<vmem>> -> memref<1x128x128xf32, #tpu.memory_space<vmem>>
      %dma_wait3A_200 = tpu.memref_squeeze %dma_wait3A_199 : memref<1x128x128xf32, #tpu.memory_space<vmem>> -> memref<128x128xf32, #tpu.memory_space<vmem>>
      tpu.wait_dma2 semaphore(%run_scoped3A_176 : memref<!tpu.dma_semaphore, #tpu.memory_space<semaphore_mem>>) src(%dma_wait3A_200 : memref<128x128xf32, #tpu.memory_space<vmem>>) dst(%dma_wait3A_196 : memref<128x128xf32, #tpu.memory_space<hbm>>)
      tpu.yield
    }) : () -> ()
    %dma_wait3A_53 = arith.constant 0 : i32
    %dma_wait3A_54 = arith.constant 0 : i32
    %dma_wait3A_55 = arith.constant 0 : i32
    %dma_wait3A_56 = tpu.memref_slice %arg11[%dma_wait3A_53, %dma_wait3A_54, %dma_wait3A_55] : memref<2x128x128xf32, #tpu.memory_space<vmem>> -> memref<1x128x128xf32, #tpu.memory_space<vmem>>
    %dma_wait3A_57 = tpu.memref_squeeze %dma_wait3A_56 : memref<1x128x128xf32, #tpu.memory_space<vmem>> -> memref<128x128xf32, #tpu.memory_space<vmem>>
    %dma_wait3A_58 = arith.constant 0 : i32
    %dma_wait3A_59 = tpu.memref_slice %arg9[%dma_wait3A_58] : memref<512xi32, #tpu.memory_space<vmem>> -> memref<128xi32, #tpu.memory_space<vmem>>
    %dma_wait3A_60 = arith.constant 0 : i32
    %dma_wait3A_61 = arith.constant 0 : i32
    %dma_wait3A_62 = tpu.memref_slice %arg5[%dma_wait3A_60, %dma_wait3A_61] : memref<50000x128xf32, #tpu.memory_space<hbm>> -> memref<50000x128xf32, #tpu.memory_space<hbm>>
    tpu.wait_indirect_dma semaphore(%arg12 : memref<!tpu.dma_semaphore, #tpu.memory_space<semaphore_mem>>) src(%dma_wait3A_62 : memref<50000x128xf32, #tpu.memory_space<hbm>>) dst(%dma_wait3A_57 : memref<128x128xf32, #tpu.memory_space<vmem>>)
    %run_scoped3A_63 = arith.constant 0 : i32
    "tpu.region"() ({
      %run_scoped3A_176 = tpu.sem_alloc : memref<!tpu.dma_semaphore, #tpu.memory_space<semaphore_mem>>
      %dma_start3A_177 = arith.constant 0 : i32
      %dma_start3A_178 = arith.constant 0 : i32
      %dma_start3A_179 = tpu.memref_slice %arg11[%run_scoped3A_63, %dma_start3A_177, %dma_start3A_178] : memref<2x128x128xf32, #tpu.memory_space<vmem>> -> memref<1x128x128xf32, #tpu.memory_space<vmem>>
      %dma_start3A_180 = tpu.memref_squeeze %dma_start3A_179 : memref<1x128x128xf32, #tpu.memory_space<vmem>> -> memref<128x128xf32, #tpu.memory_space<vmem>>
      %dma_start3A_181 = arith.constant 0 : i32
      %dma_start3A_182 = tpu.memref_slice %arg7[%add3A_43, %dma_start3A_181] : memref<16384x128xf32, #tpu.memory_space<hbm>> -> memref<128x128xf32, #tpu.memory_space<hbm>>
      %dma_start3A_183 = arith.constant 0 : i32
      %dma_start3A_184 = tpu.memref_slice %arg7[%add3A_43, %dma_start3A_183] : memref<16384x128xf32, #tpu.memory_space<hbm>> -> memref<128x128xf32, #tpu.memory_space<hbm>>
      %dma_start3A_185 = arith.constant 0 : i32
      %dma_start3A_186 = arith.constant 0 : i32
      %dma_start3A_187 = tpu.memref_slice %arg11[%run_scoped3A_63, %dma_start3A_185, %dma_start3A_186] : memref<2x128x128xf32, #tpu.memory_space<vmem>> -> memref<1x128x128xf32, #tpu.memory_space<vmem>>
      %dma_start3A_188 = tpu.memref_squeeze %dma_start3A_187 : memref<1x128x128xf32, #tpu.memory_space<vmem>> -> memref<128x128xf32, #tpu.memory_space<vmem>>
      tpu.enqueue_dma source(%dma_start3A_188 : memref<128x128xf32, #tpu.memory_space<vmem>>) target(%dma_start3A_184 : memref<128x128xf32, #tpu.memory_space<hbm>>) target_semaphore(%run_scoped3A_176 : memref<!tpu.dma_semaphore, #tpu.memory_space<semaphore_mem>>)
      %dma_wait3A_189 = arith.constant 0 : i32
      %dma_wait3A_190 = arith.constant 0 : i32
      %dma_wait3A_191 = tpu.memref_slice %arg11[%run_scoped3A_63, %dma_wait3A_189, %dma_wait3A_190] : memref<2x128x128xf32, #tpu.memory_space<vmem>> -> memref<1x128x128xf32, #tpu.memory_space<vmem>>
      %dma_wait3A_192 = tpu.memref_squeeze %dma_wait3A_191 : memref<1x128x128xf32, #tpu.memory_space<vmem>> -> memref<128x128xf32, #tpu.memory_space<vmem>>
      %dma_wait3A_193 = arith.constant 0 : i32
      %dma_wait3A_194 = tpu.memref_slice %arg7[%add3A_43, %dma_wait3A_193] : memref<16384x128xf32, #tpu.memory_space<hbm>> -> memref<128x128xf32, #tpu.memory_space<hbm>>
      %dma_wait3A_195 = arith.constant 0 : i32
      %dma_wait3A_196 = tpu.memref_slice %arg7[%add3A_43, %dma_wait3A_195] : memref<16384x128xf32, #tpu.memory_space<hbm>> -> memref<128x128xf32, #tpu.memory_space<hbm>>
      %dma_wait3A_197 = arith.constant 0 : i32
      %dma_wait3A_198 = arith.constant 0 : i32
      %dma_wait3A_199 = tpu.memref_slice %arg11[%run_scoped3A_63, %dma_wait3A_197, %dma_wait3A_198] : memref<2x128x128xf32, #tpu.memory_space<vmem>> -> memref<1x128x128xf32, #tpu.memory_space<vmem>>
      %dma_wait3A_200 = tpu.memref_squeeze %dma_wait3A_199 : memref<1x128x128xf32, #tpu.memory_space<vmem>> -> memref<128x128xf32, #tpu.memory_space<vmem>>
      tpu.wait_dma2 semaphore(%run_scoped3A_176 : memref<!tpu.dma_semaphore, #tpu.memory_space<semaphore_mem>>) src(%dma_wait3A_200 : memref<128x128xf32, #tpu.memory_space<vmem>>) dst(%dma_wait3A_196 : memref<128x128xf32, #tpu.memory_space<hbm>>)
      tpu.yield
    }) : () -> ()
    %dma_start3A_64 = arith.constant 0 : i32
    %dma_start3A_65 = arith.constant 0 : i32
    %dma_start3A_66 = arith.constant 0 : i32
    %dma_start3A_67 = tpu.memref_slice %arg10[%dma_start3A_64, %dma_start3A_65, %dma_start3A_66] : memref<2x128x128xf32, #tpu.memory_space<vmem>> -> memref<1x128x128xf32, #tpu.memory_space<vmem>>
    %dma_start3A_68 = tpu.memref_squeeze %dma_start3A_67 : memref<1x128x128xf32, #tpu.memory_space<vmem>> -> memref<128x128xf32, #tpu.memory_space<vmem>>
    %dma_start3A_69 = arith.constant 256 : i32
    %dma_start3A_70 = tpu.memref_slice %arg8[%dma_start3A_69] : memref<512xi32, #tpu.memory_space<vmem>> -> memref<128xi32, #tpu.memory_space<vmem>>
    %dma_start3A_71 = arith.constant 0 : i32
    %dma_start3A_72 = arith.constant 0 : i32
    %dma_start3A_73 = tpu.memref_slice %arg4[%dma_start3A_71, %dma_start3A_72] : memref<500000x128xf32, #tpu.memory_space<hbm>> -> memref<500000x128xf32, #tpu.memory_space<hbm>>
    tpu.enqueue_indirect_dma source(%dma_start3A_73 : memref<500000x128xf32, #tpu.memory_space<hbm>>) target(%dma_start3A_68 : memref<128x128xf32, #tpu.memory_space<vmem>>) offsets(%dma_start3A_70 : memref<128xi32, #tpu.memory_space<vmem>>) semaphore(%arg12 : memref<!tpu.dma_semaphore, #tpu.memory_space<semaphore_mem>>)
    %dma_start3A_74 = arith.constant 0 : i32
    %dma_start3A_75 = arith.constant 0 : i32
    %dma_start3A_76 = arith.constant 0 : i32
    %dma_start3A_77 = tpu.memref_slice %arg11[%dma_start3A_74, %dma_start3A_75, %dma_start3A_76] : memref<2x128x128xf32, #tpu.memory_space<vmem>> -> memref<1x128x128xf32, #tpu.memory_space<vmem>>
    %dma_start3A_78 = tpu.memref_squeeze %dma_start3A_77 : memref<1x128x128xf32, #tpu.memory_space<vmem>> -> memref<128x128xf32, #tpu.memory_space<vmem>>
    %dma_start3A_79 = arith.constant 256 : i32
    %dma_start3A_80 = tpu.memref_slice %arg9[%dma_start3A_79] : memref<512xi32, #tpu.memory_space<vmem>> -> memref<128xi32, #tpu.memory_space<vmem>>
    %dma_start3A_81 = arith.constant 0 : i32
    %dma_start3A_82 = arith.constant 0 : i32
    %dma_start3A_83 = tpu.memref_slice %arg5[%dma_start3A_81, %dma_start3A_82] : memref<50000x128xf32, #tpu.memory_space<hbm>> -> memref<50000x128xf32, #tpu.memory_space<hbm>>
    tpu.enqueue_indirect_dma source(%dma_start3A_83 : memref<50000x128xf32, #tpu.memory_space<hbm>>) target(%dma_start3A_78 : memref<128x128xf32, #tpu.memory_space<vmem>>) offsets(%dma_start3A_80 : memref<128xi32, #tpu.memory_space<vmem>>) semaphore(%arg12 : memref<!tpu.dma_semaphore, #tpu.memory_space<semaphore_mem>>)
    %add3A_84 = arith.constant 128 : i32
    %add3A_85 = arith.addi %mul3A_2, %add3A_84 : i32
    %dma_wait3A_86 = arith.constant 1 : i32
    %dma_wait3A_87 = arith.constant 0 : i32
    %dma_wait3A_88 = arith.constant 0 : i32
    %dma_wait3A_89 = tpu.memref_slice %arg10[%dma_wait3A_86, %dma_wait3A_87, %dma_wait3A_88] : memref<2x128x128xf32, #tpu.memory_space<vmem>> -> memref<1x128x128xf32, #tpu.memory_space<vmem>>
    %dma_wait3A_90 = tpu.memref_squeeze %dma_wait3A_89 : memref<1x128x128xf32, #tpu.memory_space<vmem>> -> memref<128x128xf32, #tpu.memory_space<vmem>>
    %dma_wait3A_91 = arith.constant 128 : i32
    %dma_wait3A_92 = tpu.memref_slice %arg8[%dma_wait3A_91] : memref<512xi32, #tpu.memory_space<vmem>> -> memref<128xi32, #tpu.memory_space<vmem>>
    %dma_wait3A_93 = arith.constant 0 : i32
    %dma_wait3A_94 = arith.constant 0 : i32
    %dma_wait3A_95 = tpu.memref_slice %arg4[%dma_wait3A_93, %dma_wait3A_94] : memref<500000x128xf32, #tpu.memory_space<hbm>> -> memref<500000x128xf32, #tpu.memory_space<hbm>>
    tpu.wait_indirect_dma semaphore(%arg12 : memref<!tpu.dma_semaphore, #tpu.memory_space<semaphore_mem>>) src(%dma_wait3A_95 : memref<500000x128xf32, #tpu.memory_space<hbm>>) dst(%dma_wait3A_90 : memref<128x128xf32, #tpu.memory_space<vmem>>)
    %run_scoped3A_96 = arith.constant 1 : i32
    "tpu.region"() ({
      %run_scoped3A_176 = tpu.sem_alloc : memref<!tpu.dma_semaphore, #tpu.memory_space<semaphore_mem>>
      %dma_start3A_177 = arith.constant 0 : i32
      %dma_start3A_178 = arith.constant 0 : i32
      %dma_start3A_179 = tpu.memref_slice %arg10[%run_scoped3A_96, %dma_start3A_177, %dma_start3A_178] : memref<2x128x128xf32, #tpu.memory_space<vmem>> -> memref<1x128x128xf32, #tpu.memory_space<vmem>>
      %dma_start3A_180 = tpu.memref_squeeze %dma_start3A_179 : memref<1x128x128xf32, #tpu.memory_space<vmem>> -> memref<128x128xf32, #tpu.memory_space<vmem>>
      %dma_start3A_181 = arith.constant 0 : i32
      %dma_start3A_182 = tpu.memref_slice %arg6[%add3A_85, %dma_start3A_181] : memref<16384x128xf32, #tpu.memory_space<hbm>> -> memref<128x128xf32, #tpu.memory_space<hbm>>
      %dma_start3A_183 = arith.constant 0 : i32
      %dma_start3A_184 = tpu.memref_slice %arg6[%add3A_85, %dma_start3A_183] : memref<16384x128xf32, #tpu.memory_space<hbm>> -> memref<128x128xf32, #tpu.memory_space<hbm>>
      %dma_start3A_185 = arith.constant 0 : i32
      %dma_start3A_186 = arith.constant 0 : i32
      %dma_start3A_187 = tpu.memref_slice %arg10[%run_scoped3A_96, %dma_start3A_185, %dma_start3A_186] : memref<2x128x128xf32, #tpu.memory_space<vmem>> -> memref<1x128x128xf32, #tpu.memory_space<vmem>>
      %dma_start3A_188 = tpu.memref_squeeze %dma_start3A_187 : memref<1x128x128xf32, #tpu.memory_space<vmem>> -> memref<128x128xf32, #tpu.memory_space<vmem>>
      tpu.enqueue_dma source(%dma_start3A_188 : memref<128x128xf32, #tpu.memory_space<vmem>>) target(%dma_start3A_184 : memref<128x128xf32, #tpu.memory_space<hbm>>) target_semaphore(%run_scoped3A_176 : memref<!tpu.dma_semaphore, #tpu.memory_space<semaphore_mem>>)
      %dma_wait3A_189 = arith.constant 0 : i32
      %dma_wait3A_190 = arith.constant 0 : i32
      %dma_wait3A_191 = tpu.memref_slice %arg10[%run_scoped3A_96, %dma_wait3A_189, %dma_wait3A_190] : memref<2x128x128xf32, #tpu.memory_space<vmem>> -> memref<1x128x128xf32, #tpu.memory_space<vmem>>
      %dma_wait3A_192 = tpu.memref_squeeze %dma_wait3A_191 : memref<1x128x128xf32, #tpu.memory_space<vmem>> -> memref<128x128xf32, #tpu.memory_space<vmem>>
      %dma_wait3A_193 = arith.constant 0 : i32
      %dma_wait3A_194 = tpu.memref_slice %arg6[%add3A_85, %dma_wait3A_193] : memref<16384x128xf32, #tpu.memory_space<hbm>> -> memref<128x128xf32, #tpu.memory_space<hbm>>
      %dma_wait3A_195 = arith.constant 0 : i32
      %dma_wait3A_196 = tpu.memref_slice %arg6[%add3A_85, %dma_wait3A_195] : memref<16384x128xf32, #tpu.memory_space<hbm>> -> memref<128x128xf32, #tpu.memory_space<hbm>>
      %dma_wait3A_197 = arith.constant 0 : i32
      %dma_wait3A_198 = arith.constant 0 : i32
      %dma_wait3A_199 = tpu.memref_slice %arg10[%run_scoped3A_96, %dma_wait3A_197, %dma_wait3A_198] : memref<2x128x128xf32, #tpu.memory_space<vmem>> -> memref<1x128x128xf32, #tpu.memory_space<vmem>>
      %dma_wait3A_200 = tpu.memref_squeeze %dma_wait3A_199 : memref<1x128x128xf32, #tpu.memory_space<vmem>> -> memref<128x128xf32, #tpu.memory_space<vmem>>
      tpu.wait_dma2 semaphore(%run_scoped3A_176 : memref<!tpu.dma_semaphore, #tpu.memory_space<semaphore_mem>>) src(%dma_wait3A_200 : memref<128x128xf32, #tpu.memory_space<vmem>>) dst(%dma_wait3A_196 : memref<128x128xf32, #tpu.memory_space<hbm>>)
      tpu.yield
    }) : () -> ()
    %dma_wait3A_97 = arith.constant 1 : i32
    %dma_wait3A_98 = arith.constant 0 : i32
    %dma_wait3A_99 = arith.constant 0 : i32
    %dma_wait3A_100 = tpu.memref_slice %arg11[%dma_wait3A_97, %dma_wait3A_98, %dma_wait3A_99] : memref<2x128x128xf32, #tpu.memory_space<vmem>> -> memref<1x128x128xf32, #tpu.memory_space<vmem>>
    %dma_wait3A_101 = tpu.memref_squeeze %dma_wait3A_100 : memref<1x128x128xf32, #tpu.memory_space<vmem>> -> memref<128x128xf32, #tpu.memory_space<vmem>>
    %dma_wait3A_102 = arith.constant 128 : i32
    %dma_wait3A_103 = tpu.memref_slice %arg9[%dma_wait3A_102] : memref<512xi32, #tpu.memory_space<vmem>> -> memref<128xi32, #tpu.memory_space<vmem>>
    %dma_wait3A_104 = arith.constant 0 : i32
    %dma_wait3A_105 = arith.constant 0 : i32
    %dma_wait3A_106 = tpu.memref_slice %arg5[%dma_wait3A_104, %dma_wait3A_105] : memref<50000x128xf32, #tpu.memory_space<hbm>> -> memref<50000x128xf32, #tpu.memory_space<hbm>>
    tpu.wait_indirect_dma semaphore(%arg12 : memref<!tpu.dma_semaphore, #tpu.memory_space<semaphore_mem>>) src(%dma_wait3A_106 : memref<50000x128xf32, #tpu.memory_space<hbm>>) dst(%dma_wait3A_101 : memref<128x128xf32, #tpu.memory_space<vmem>>)
    %run_scoped3A_107 = arith.constant 1 : i32
    "tpu.region"() ({
      %run_scoped3A_176 = tpu.sem_alloc : memref<!tpu.dma_semaphore, #tpu.memory_space<semaphore_mem>>
      %dma_start3A_177 = arith.constant 0 : i32
      %dma_start3A_178 = arith.constant 0 : i32
      %dma_start3A_179 = tpu.memref_slice %arg11[%run_scoped3A_107, %dma_start3A_177, %dma_start3A_178] : memref<2x128x128xf32, #tpu.memory_space<vmem>> -> memref<1x128x128xf32, #tpu.memory_space<vmem>>
      %dma_start3A_180 = tpu.memref_squeeze %dma_start3A_179 : memref<1x128x128xf32, #tpu.memory_space<vmem>> -> memref<128x128xf32, #tpu.memory_space<vmem>>
      %dma_start3A_181 = arith.constant 0 : i32
      %dma_start3A_182 = tpu.memref_slice %arg7[%add3A_85, %dma_start3A_181] : memref<16384x128xf32, #tpu.memory_space<hbm>> -> memref<128x128xf32, #tpu.memory_space<hbm>>
      %dma_start3A_183 = arith.constant 0 : i32
      %dma_start3A_184 = tpu.memref_slice %arg7[%add3A_85, %dma_start3A_183] : memref<16384x128xf32, #tpu.memory_space<hbm>> -> memref<128x128xf32, #tpu.memory_space<hbm>>
      %dma_start3A_185 = arith.constant 0 : i32
      %dma_start3A_186 = arith.constant 0 : i32
      %dma_start3A_187 = tpu.memref_slice %arg11[%run_scoped3A_107, %dma_start3A_185, %dma_start3A_186] : memref<2x128x128xf32, #tpu.memory_space<vmem>> -> memref<1x128x128xf32, #tpu.memory_space<vmem>>
      %dma_start3A_188 = tpu.memref_squeeze %dma_start3A_187 : memref<1x128x128xf32, #tpu.memory_space<vmem>> -> memref<128x128xf32, #tpu.memory_space<vmem>>
      tpu.enqueue_dma source(%dma_start3A_188 : memref<128x128xf32, #tpu.memory_space<vmem>>) target(%dma_start3A_184 : memref<128x128xf32, #tpu.memory_space<hbm>>) target_semaphore(%run_scoped3A_176 : memref<!tpu.dma_semaphore, #tpu.memory_space<semaphore_mem>>)
      %dma_wait3A_189 = arith.constant 0 : i32
      %dma_wait3A_190 = arith.constant 0 : i32
      %dma_wait3A_191 = tpu.memref_slice %arg11[%run_scoped3A_107, %dma_wait3A_189, %dma_wait3A_190] : memref<2x128x128xf32, #tpu.memory_space<vmem>> -> memref<1x128x128xf32, #tpu.memory_space<vmem>>
      %dma_wait3A_192 = tpu.memref_squeeze %dma_wait3A_191 : memref<1x128x128xf32, #tpu.memory_space<vmem>> -> memref<128x128xf32, #tpu.memory_space<vmem>>
      %dma_wait3A_193 = arith.constant 0 : i32
      %dma_wait3A_194 = tpu.memref_slice %arg7[%add3A_85, %dma_wait3A_193] : memref<16384x128xf32, #tpu.memory_space<hbm>> -> memref<128x128xf32, #tpu.memory_space<hbm>>
      %dma_wait3A_195 = arith.constant 0 : i32
      %dma_wait3A_196 = tpu.memref_slice %arg7[%add3A_85, %dma_wait3A_195] : memref<16384x128xf32, #tpu.memory_space<hbm>> -> memref<128x128xf32, #tpu.memory_space<hbm>>
      %dma_wait3A_197 = arith.constant 0 : i32
      %dma_wait3A_198 = arith.constant 0 : i32
      %dma_wait3A_199 = tpu.memref_slice %arg11[%run_scoped3A_107, %dma_wait3A_197, %dma_wait3A_198] : memref<2x128x128xf32, #tpu.memory_space<vmem>> -> memref<1x128x128xf32, #tpu.memory_space<vmem>>
      %dma_wait3A_200 = tpu.memref_squeeze %dma_wait3A_199 : memref<1x128x128xf32, #tpu.memory_space<vmem>> -> memref<128x128xf32, #tpu.memory_space<vmem>>
      tpu.wait_dma2 semaphore(%run_scoped3A_176 : memref<!tpu.dma_semaphore, #tpu.memory_space<semaphore_mem>>) src(%dma_wait3A_200 : memref<128x128xf32, #tpu.memory_space<vmem>>) dst(%dma_wait3A_196 : memref<128x128xf32, #tpu.memory_space<hbm>>)
      tpu.yield
    }) : () -> ()
    %dma_start3A_108 = arith.constant 1 : i32
    %dma_start3A_109 = arith.constant 0 : i32
    %dma_start3A_110 = arith.constant 0 : i32
    %dma_start3A_111 = tpu.memref_slice %arg10[%dma_start3A_108, %dma_start3A_109, %dma_start3A_110] : memref<2x128x128xf32, #tpu.memory_space<vmem>> -> memref<1x128x128xf32, #tpu.memory_space<vmem>>
    %dma_start3A_112 = tpu.memref_squeeze %dma_start3A_111 : memref<1x128x128xf32, #tpu.memory_space<vmem>> -> memref<128x128xf32, #tpu.memory_space<vmem>>
    %dma_start3A_113 = arith.constant 384 : i32
    %dma_start3A_114 = tpu.memref_slice %arg8[%dma_start3A_113] : memref<512xi32, #tpu.memory_space<vmem>> -> memref<128xi32, #tpu.memory_space<vmem>>
    %dma_start3A_115 = arith.constant 0 : i32
    %dma_start3A_116 = arith.constant 0 : i32
    %dma_start3A_117 = tpu.memref_slice %arg4[%dma_start3A_115, %dma_start3A_116] : memref<500000x128xf32, #tpu.memory_space<hbm>> -> memref<500000x128xf32, #tpu.memory_space<hbm>>
    tpu.enqueue_indirect_dma source(%dma_start3A_117 : memref<500000x128xf32, #tpu.memory_space<hbm>>) target(%dma_start3A_112 : memref<128x128xf32, #tpu.memory_space<vmem>>) offsets(%dma_start3A_114 : memref<128xi32, #tpu.memory_space<vmem>>) semaphore(%arg12 : memref<!tpu.dma_semaphore, #tpu.memory_space<semaphore_mem>>)
    %dma_start3A_118 = arith.constant 1 : i32
    %dma_start3A_119 = arith.constant 0 : i32
    %dma_start3A_120 = arith.constant 0 : i32
    %dma_start3A_121 = tpu.memref_slice %arg11[%dma_start3A_118, %dma_start3A_119, %dma_start3A_120] : memref<2x128x128xf32, #tpu.memory_space<vmem>> -> memref<1x128x128xf32, #tpu.memory_space<vmem>>
    %dma_start3A_122 = tpu.memref_squeeze %dma_start3A_121 : memref<1x128x128xf32, #tpu.memory_space<vmem>> -> memref<128x128xf32, #tpu.memory_space<vmem>>
    %dma_start3A_123 = arith.constant 384 : i32
    %dma_start3A_124 = tpu.memref_slice %arg9[%dma_start3A_123] : memref<512xi32, #tpu.memory_space<vmem>> -> memref<128xi32, #tpu.memory_space<vmem>>
    %dma_start3A_125 = arith.constant 0 : i32
    %dma_start3A_126 = arith.constant 0 : i32
    %dma_start3A_127 = tpu.memref_slice %arg5[%dma_start3A_125, %dma_start3A_126] : memref<50000x128xf32, #tpu.memory_space<hbm>> -> memref<50000x128xf32, #tpu.memory_space<hbm>>
    tpu.enqueue_indirect_dma source(%dma_start3A_127 : memref<50000x128xf32, #tpu.memory_space<hbm>>) target(%dma_start3A_122 : memref<128x128xf32, #tpu.memory_space<vmem>>) offsets(%dma_start3A_124 : memref<128xi32, #tpu.memory_space<vmem>>) semaphore(%arg12 : memref<!tpu.dma_semaphore, #tpu.memory_space<semaphore_mem>>)
    %add3A_128 = arith.constant 256 : i32
    %add3A_129 = arith.addi %mul3A_2, %add3A_128 : i32
    %dma_wait3A_130 = arith.constant 0 : i32
    %dma_wait3A_131 = arith.constant 0 : i32
    %dma_wait3A_132 = arith.constant 0 : i32
    %dma_wait3A_133 = tpu.memref_slice %arg10[%dma_wait3A_130, %dma_wait3A_131, %dma_wait3A_132] : memref<2x128x128xf32, #tpu.memory_space<vmem>> -> memref<1x128x128xf32, #tpu.memory_space<vmem>>
    %dma_wait3A_134 = tpu.memref_squeeze %dma_wait3A_133 : memref<1x128x128xf32, #tpu.memory_space<vmem>> -> memref<128x128xf32, #tpu.memory_space<vmem>>
    %dma_wait3A_135 = arith.constant 256 : i32
    %dma_wait3A_136 = tpu.memref_slice %arg8[%dma_wait3A_135] : memref<512xi32, #tpu.memory_space<vmem>> -> memref<128xi32, #tpu.memory_space<vmem>>
    %dma_wait3A_137 = arith.constant 0 : i32
    %dma_wait3A_138 = arith.constant 0 : i32
    %dma_wait3A_139 = tpu.memref_slice %arg4[%dma_wait3A_137, %dma_wait3A_138] : memref<500000x128xf32, #tpu.memory_space<hbm>> -> memref<500000x128xf32, #tpu.memory_space<hbm>>
    tpu.wait_indirect_dma semaphore(%arg12 : memref<!tpu.dma_semaphore, #tpu.memory_space<semaphore_mem>>) src(%dma_wait3A_139 : memref<500000x128xf32, #tpu.memory_space<hbm>>) dst(%dma_wait3A_134 : memref<128x128xf32, #tpu.memory_space<vmem>>)
    %run_scoped3A_140 = arith.constant 0 : i32
    "tpu.region"() ({
      %run_scoped3A_176 = tpu.sem_alloc : memref<!tpu.dma_semaphore, #tpu.memory_space<semaphore_mem>>
      %dma_start3A_177 = arith.constant 0 : i32
      %dma_start3A_178 = arith.constant 0 : i32
      %dma_start3A_179 = tpu.memref_slice %arg10[%run_scoped3A_140, %dma_start3A_177, %dma_start3A_178] : memref<2x128x128xf32, #tpu.memory_space<vmem>> -> memref<1x128x128xf32, #tpu.memory_space<vmem>>
      %dma_start3A_180 = tpu.memref_squeeze %dma_start3A_179 : memref<1x128x128xf32, #tpu.memory_space<vmem>> -> memref<128x128xf32, #tpu.memory_space<vmem>>
      %dma_start3A_181 = arith.constant 0 : i32
      %dma_start3A_182 = tpu.memref_slice %arg6[%add3A_129, %dma_start3A_181] : memref<16384x128xf32, #tpu.memory_space<hbm>> -> memref<128x128xf32, #tpu.memory_space<hbm>>
      %dma_start3A_183 = arith.constant 0 : i32
      %dma_start3A_184 = tpu.memref_slice %arg6[%add3A_129, %dma_start3A_183] : memref<16384x128xf32, #tpu.memory_space<hbm>> -> memref<128x128xf32, #tpu.memory_space<hbm>>
      %dma_start3A_185 = arith.constant 0 : i32
      %dma_start3A_186 = arith.constant 0 : i32
      %dma_start3A_187 = tpu.memref_slice %arg10[%run_scoped3A_140, %dma_start3A_185, %dma_start3A_186] : memref<2x128x128xf32, #tpu.memory_space<vmem>> -> memref<1x128x128xf32, #tpu.memory_space<vmem>>
      %dma_start3A_188 = tpu.memref_squeeze %dma_start3A_187 : memref<1x128x128xf32, #tpu.memory_space<vmem>> -> memref<128x128xf32, #tpu.memory_space<vmem>>
      tpu.enqueue_dma source(%dma_start3A_188 : memref<128x128xf32, #tpu.memory_space<vmem>>) target(%dma_start3A_184 : memref<128x128xf32, #tpu.memory_space<hbm>>) target_semaphore(%run_scoped3A_176 : memref<!tpu.dma_semaphore, #tpu.memory_space<semaphore_mem>>)
      %dma_wait3A_189 = arith.constant 0 : i32
      %dma_wait3A_190 = arith.constant 0 : i32
      %dma_wait3A_191 = tpu.memref_slice %arg10[%run_scoped3A_140, %dma_wait3A_189, %dma_wait3A_190] : memref<2x128x128xf32, #tpu.memory_space<vmem>> -> memref<1x128x128xf32, #tpu.memory_space<vmem>>
      %dma_wait3A_192 = tpu.memref_squeeze %dma_wait3A_191 : memref<1x128x128xf32, #tpu.memory_space<vmem>> -> memref<128x128xf32, #tpu.memory_space<vmem>>
      %dma_wait3A_193 = arith.constant 0 : i32
      %dma_wait3A_194 = tpu.memref_slice %arg6[%add3A_129, %dma_wait3A_193] : memref<16384x128xf32, #tpu.memory_space<hbm>> -> memref<128x128xf32, #tpu.memory_space<hbm>>
      %dma_wait3A_195 = arith.constant 0 : i32
      %dma_wait3A_196 = tpu.memref_slice %arg6[%add3A_129, %dma_wait3A_195] : memref<16384x128xf32, #tpu.memory_space<hbm>> -> memref<128x128xf32, #tpu.memory_space<hbm>>
      %dma_wait3A_197 = arith.constant 0 : i32
      %dma_wait3A_198 = arith.constant 0 : i32
      %dma_wait3A_199 = tpu.memref_slice %arg10[%run_scoped3A_140, %dma_wait3A_197, %dma_wait3A_198] : memref<2x128x128xf32, #tpu.memory_space<vmem>> -> memref<1x128x128xf32, #tpu.memory_space<vmem>>
      %dma_wait3A_200 = tpu.memref_squeeze %dma_wait3A_199 : memref<1x128x128xf32, #tpu.memory_space<vmem>> -> memref<128x128xf32, #tpu.memory_space<vmem>>
      tpu.wait_dma2 semaphore(%run_scoped3A_176 : memref<!tpu.dma_semaphore, #tpu.memory_space<semaphore_mem>>) src(%dma_wait3A_200 : memref<128x128xf32, #tpu.memory_space<vmem>>) dst(%dma_wait3A_196 : memref<128x128xf32, #tpu.memory_space<hbm>>)
      tpu.yield
    }) : () -> ()
    %dma_wait3A_141 = arith.constant 0 : i32
    %dma_wait3A_142 = arith.constant 0 : i32
    %dma_wait3A_143 = arith.constant 0 : i32
    %dma_wait3A_144 = tpu.memref_slice %arg11[%dma_wait3A_141, %dma_wait3A_142, %dma_wait3A_143] : memref<2x128x128xf32, #tpu.memory_space<vmem>> -> memref<1x128x128xf32, #tpu.memory_space<vmem>>
    %dma_wait3A_145 = tpu.memref_squeeze %dma_wait3A_144 : memref<1x128x128xf32, #tpu.memory_space<vmem>> -> memref<128x128xf32, #tpu.memory_space<vmem>>
    %dma_wait3A_146 = arith.constant 256 : i32
    %dma_wait3A_147 = tpu.memref_slice %arg9[%dma_wait3A_146] : memref<512xi32, #tpu.memory_space<vmem>> -> memref<128xi32, #tpu.memory_space<vmem>>
    %dma_wait3A_148 = arith.constant 0 : i32
    %dma_wait3A_149 = arith.constant 0 : i32
    %dma_wait3A_150 = tpu.memref_slice %arg5[%dma_wait3A_148, %dma_wait3A_149] : memref<50000x128xf32, #tpu.memory_space<hbm>> -> memref<50000x128xf32, #tpu.memory_space<hbm>>
    tpu.wait_indirect_dma semaphore(%arg12 : memref<!tpu.dma_semaphore, #tpu.memory_space<semaphore_mem>>) src(%dma_wait3A_150 : memref<50000x128xf32, #tpu.memory_space<hbm>>) dst(%dma_wait3A_145 : memref<128x128xf32, #tpu.memory_space<vmem>>)
    %run_scoped3A_151 = arith.constant 0 : i32
    "tpu.region"() ({
      %run_scoped3A_176 = tpu.sem_alloc : memref<!tpu.dma_semaphore, #tpu.memory_space<semaphore_mem>>
      %dma_start3A_177 = arith.constant 0 : i32
      %dma_start3A_178 = arith.constant 0 : i32
      %dma_start3A_179 = tpu.memref_slice %arg11[%run_scoped3A_151, %dma_start3A_177, %dma_start3A_178] : memref<2x128x128xf32, #tpu.memory_space<vmem>> -> memref<1x128x128xf32, #tpu.memory_space<vmem>>
      %dma_start3A_180 = tpu.memref_squeeze %dma_start3A_179 : memref<1x128x128xf32, #tpu.memory_space<vmem>> -> memref<128x128xf32, #tpu.memory_space<vmem>>
      %dma_start3A_181 = arith.constant 0 : i32
      %dma_start3A_182 = tpu.memref_slice %arg7[%add3A_129, %dma_start3A_181] : memref<16384x128xf32, #tpu.memory_space<hbm>> -> memref<128x128xf32, #tpu.memory_space<hbm>>
      %dma_start3A_183 = arith.constant 0 : i32
      %dma_start3A_184 = tpu.memref_slice %arg7[%add3A_129, %dma_start3A_183] : memref<16384x128xf32, #tpu.memory_space<hbm>> -> memref<128x128xf32, #tpu.memory_space<hbm>>
      %dma_start3A_185 = arith.constant 0 : i32
      %dma_start3A_186 = arith.constant 0 : i32
      %dma_start3A_187 = tpu.memref_slice %arg11[%run_scoped3A_151, %dma_start3A_185, %dma_start3A_186] : memref<2x128x128xf32, #tpu.memory_space<vmem>> -> memref<1x128x128xf32, #tpu.memory_space<vmem>>
      %dma_start3A_188 = tpu.memref_squeeze %dma_start3A_187 : memref<1x128x128xf32, #tpu.memory_space<vmem>> -> memref<128x128xf32, #tpu.memory_space<vmem>>
      tpu.enqueue_dma source(%dma_start3A_188 : memref<128x128xf32, #tpu.memory_space<vmem>>) target(%dma_start3A_184 : memref<128x128xf32, #tpu.memory_space<hbm>>) target_semaphore(%run_scoped3A_176 : memref<!tpu.dma_semaphore, #tpu.memory_space<semaphore_mem>>)
      %dma_wait3A_189 = arith.constant 0 : i32
      %dma_wait3A_190 = arith.constant 0 : i32
      %dma_wait3A_191 = tpu.memref_slice %arg11[%run_scoped3A_151, %dma_wait3A_189, %dma_wait3A_190] : memref<2x128x128xf32, #tpu.memory_space<vmem>> -> memref<1x128x128xf32, #tpu.memory_space<vmem>>
      %dma_wait3A_192 = tpu.memref_squeeze %dma_wait3A_191 : memref<1x128x128xf32, #tpu.memory_space<vmem>> -> memref<128x128xf32, #tpu.memory_space<vmem>>
      %dma_wait3A_193 = arith.constant 0 : i32
      %dma_wait3A_194 = tpu.memref_slice %arg7[%add3A_129, %dma_wait3A_193] : memref<16384x128xf32, #tpu.memory_space<hbm>> -> memref<128x128xf32, #tpu.memory_space<hbm>>
      %dma_wait3A_195 = arith.constant 0 : i32
      %dma_wait3A_196 = tpu.memref_slice %arg7[%add3A_129, %dma_wait3A_195] : memref<16384x128xf32, #tpu.memory_space<hbm>> -> memref<128x128xf32, #tpu.memory_space<hbm>>
      %dma_wait3A_197 = arith.constant 0 : i32
      %dma_wait3A_198 = arith.constant 0 : i32
      %dma_wait3A_199 = tpu.memref_slice %arg11[%run_scoped3A_151, %dma_wait3A_197, %dma_wait3A_198] : memref<2x128x128xf32, #tpu.memory_space<vmem>> -> memref<1x128x128xf32, #tpu.memory_space<vmem>>
      %dma_wait3A_200 = tpu.memref_squeeze %dma_wait3A_199 : memref<1x128x128xf32, #tpu.memory_space<vmem>> -> memref<128x128xf32, #tpu.memory_space<vmem>>
      tpu.wait_dma2 semaphore(%run_scoped3A_176 : memref<!tpu.dma_semaphore, #tpu.memory_space<semaphore_mem>>) src(%dma_wait3A_200 : memref<128x128xf32, #tpu.memory_space<vmem>>) dst(%dma_wait3A_196 : memref<128x128xf32, #tpu.memory_space<hbm>>)
      tpu.yield
    }) : () -> ()
    %add3A_152 = arith.constant 384 : i32
    %add3A_153 = arith.addi %mul3A_2, %add3A_152 : i32
    %dma_wait3A_154 = arith.constant 1 : i32
    %dma_wait3A_155 = arith.constant 0 : i32
    %dma_wait3A_156 = arith.constant 0 : i32
    %dma_wait3A_157 = tpu.memref_slice %arg10[%dma_wait3A_154, %dma_wait3A_155, %dma_wait3A_156] : memref<2x128x128xf32, #tpu.memory_space<vmem>> -> memref<1x128x128xf32, #tpu.memory_space<vmem>>
    %dma_wait3A_158 = tpu.memref_squeeze %dma_wait3A_157 : memref<1x128x128xf32, #tpu.memory_space<vmem>> -> memref<128x128xf32, #tpu.memory_space<vmem>>
    %dma_wait3A_159 = arith.constant 384 : i32
    %dma_wait3A_160 = tpu.memref_slice %arg8[%dma_wait3A_159] : memref<512xi32, #tpu.memory_space<vmem>> -> memref<128xi32, #tpu.memory_space<vmem>>
    %dma_wait3A_161 = arith.constant 0 : i32
    %dma_wait3A_162 = arith.constant 0 : i32
    %dma_wait3A_163 = tpu.memref_slice %arg4[%dma_wait3A_161, %dma_wait3A_162] : memref<500000x128xf32, #tpu.memory_space<hbm>> -> memref<500000x128xf32, #tpu.memory_space<hbm>>
    tpu.wait_indirect_dma semaphore(%arg12 : memref<!tpu.dma_semaphore, #tpu.memory_space<semaphore_mem>>) src(%dma_wait3A_163 : memref<500000x128xf32, #tpu.memory_space<hbm>>) dst(%dma_wait3A_158 : memref<128x128xf32, #tpu.memory_space<vmem>>)
    %run_scoped3A_164 = arith.constant 1 : i32
    "tpu.region"() ({
      %run_scoped3A_176 = tpu.sem_alloc : memref<!tpu.dma_semaphore, #tpu.memory_space<semaphore_mem>>
      %dma_start3A_177 = arith.constant 0 : i32
      %dma_start3A_178 = arith.constant 0 : i32
      %dma_start3A_179 = tpu.memref_slice %arg10[%run_scoped3A_164, %dma_start3A_177, %dma_start3A_178] : memref<2x128x128xf32, #tpu.memory_space<vmem>> -> memref<1x128x128xf32, #tpu.memory_space<vmem>>
      %dma_start3A_180 = tpu.memref_squeeze %dma_start3A_179 : memref<1x128x128xf32, #tpu.memory_space<vmem>> -> memref<128x128xf32, #tpu.memory_space<vmem>>
      %dma_start3A_181 = arith.constant 0 : i32
      %dma_start3A_182 = tpu.memref_slice %arg6[%add3A_153, %dma_start3A_181] : memref<16384x128xf32, #tpu.memory_space<hbm>> -> memref<128x128xf32, #tpu.memory_space<hbm>>
      %dma_start3A_183 = arith.constant 0 : i32
      %dma_start3A_184 = tpu.memref_slice %arg6[%add3A_153, %dma_start3A_183] : memref<16384x128xf32, #tpu.memory_space<hbm>> -> memref<128x128xf32, #tpu.memory_space<hbm>>
      %dma_start3A_185 = arith.constant 0 : i32
      %dma_start3A_186 = arith.constant 0 : i32
      %dma_start3A_187 = tpu.memref_slice %arg10[%run_scoped3A_164, %dma_start3A_185, %dma_start3A_186] : memref<2x128x128xf32, #tpu.memory_space<vmem>> -> memref<1x128x128xf32, #tpu.memory_space<vmem>>
      %dma_start3A_188 = tpu.memref_squeeze %dma_start3A_187 : memref<1x128x128xf32, #tpu.memory_space<vmem>> -> memref<128x128xf32, #tpu.memory_space<vmem>>
      tpu.enqueue_dma source(%dma_start3A_188 : memref<128x128xf32, #tpu.memory_space<vmem>>) target(%dma_start3A_184 : memref<128x128xf32, #tpu.memory_space<hbm>>) target_semaphore(%run_scoped3A_176 : memref<!tpu.dma_semaphore, #tpu.memory_space<semaphore_mem>>)
      %dma_wait3A_189 = arith.constant 0 : i32
      %dma_wait3A_190 = arith.constant 0 : i32
      %dma_wait3A_191 = tpu.memref_slice %arg10[%run_scoped3A_164, %dma_wait3A_189, %dma_wait3A_190] : memref<2x128x128xf32, #tpu.memory_space<vmem>> -> memref<1x128x128xf32, #tpu.memory_space<vmem>>
      %dma_wait3A_192 = tpu.memref_squeeze %dma_wait3A_191 : memref<1x128x128xf32, #tpu.memory_space<vmem>> -> memref<128x128xf32, #tpu.memory_space<vmem>>
      %dma_wait3A_193 = arith.constant 0 : i32
      %dma_wait3A_194 = tpu.memref_slice %arg6[%add3A_153, %dma_wait3A_193] : memref<16384x128xf32, #tpu.memory_space<hbm>> -> memref<128x128xf32, #tpu.memory_space<hbm>>
      %dma_wait3A_195 = arith.constant 0 : i32
      %dma_wait3A_196 = tpu.memref_slice %arg6[%add3A_153, %dma_wait3A_195] : memref<16384x128xf32, #tpu.memory_space<hbm>> -> memref<128x128xf32, #tpu.memory_space<hbm>>
      %dma_wait3A_197 = arith.constant 0 : i32
      %dma_wait3A_198 = arith.constant 0 : i32
      %dma_wait3A_199 = tpu.memref_slice %arg10[%run_scoped3A_164, %dma_wait3A_197, %dma_wait3A_198] : memref<2x128x128xf32, #tpu.memory_space<vmem>> -> memref<1x128x128xf32, #tpu.memory_space<vmem>>
      %dma_wait3A_200 = tpu.memref_squeeze %dma_wait3A_199 : memref<1x128x128xf32, #tpu.memory_space<vmem>> -> memref<128x128xf32, #tpu.memory_space<vmem>>
      tpu.wait_dma2 semaphore(%run_scoped3A_176 : memref<!tpu.dma_semaphore, #tpu.memory_space<semaphore_mem>>) src(%dma_wait3A_200 : memref<128x128xf32, #tpu.memory_space<vmem>>) dst(%dma_wait3A_196 : memref<128x128xf32, #tpu.memory_space<hbm>>)
      tpu.yield
    }) : () -> ()
    %dma_wait3A_165 = arith.constant 1 : i32
    %dma_wait3A_166 = arith.constant 0 : i32
    %dma_wait3A_167 = arith.constant 0 : i32
    %dma_wait3A_168 = tpu.memref_slice %arg11[%dma_wait3A_165, %dma_wait3A_166, %dma_wait3A_167] : memref<2x128x128xf32, #tpu.memory_space<vmem>> -> memref<1x128x128xf32, #tpu.memory_space<vmem>>
    %dma_wait3A_169 = tpu.memref_squeeze %dma_wait3A_168 : memref<1x128x128xf32, #tpu.memory_space<vmem>> -> memref<128x128xf32, #tpu.memory_space<vmem>>
    %dma_wait3A_170 = arith.constant 384 : i32
    %dma_wait3A_171 = tpu.memref_slice %arg9[%dma_wait3A_170] : memref<512xi32, #tpu.memory_space<vmem>> -> memref<128xi32, #tpu.memory_space<vmem>>
    %dma_wait3A_172 = arith.constant 0 : i32
    %dma_wait3A_173 = arith.constant 0 : i32
    %dma_wait3A_174 = tpu.memref_slice %arg5[%dma_wait3A_172, %dma_wait3A_173] : memref<50000x128xf32, #tpu.memory_space<hbm>> -> memref<50000x128xf32, #tpu.memory_space<hbm>>
    tpu.wait_indirect_dma semaphore(%arg12 : memref<!tpu.dma_semaphore, #tpu.memory_space<semaphore_mem>>) src(%dma_wait3A_174 : memref<50000x128xf32, #tpu.memory_space<hbm>>) dst(%dma_wait3A_169 : memref<128x128xf32, #tpu.memory_space<vmem>>)
    %run_scoped3A_175 = arith.constant 1 : i32
    "tpu.region"() ({
      %run_scoped3A_176 = tpu.sem_alloc : memref<!tpu.dma_semaphore, #tpu.memory_space<semaphore_mem>>
      %dma_start3A_177 = arith.constant 0 : i32
      %dma_start3A_178 = arith.constant 0 : i32
      %dma_start3A_179 = tpu.memref_slice %arg11[%run_scoped3A_175, %dma_start3A_177, %dma_start3A_178] : memref<2x128x128xf32, #tpu.memory_space<vmem>> -> memref<1x128x128xf32, #tpu.memory_space<vmem>>
      %dma_start3A_180 = tpu.memref_squeeze %dma_start3A_179 : memref<1x128x128xf32, #tpu.memory_space<vmem>> -> memref<128x128xf32, #tpu.memory_space<vmem>>
      %dma_start3A_181 = arith.constant 0 : i32
      %dma_start3A_182 = tpu.memref_slice %arg7[%add3A_153, %dma_start3A_181] : memref<16384x128xf32, #tpu.memory_space<hbm>> -> memref<128x128xf32, #tpu.memory_space<hbm>>
      %dma_start3A_183 = arith.constant 0 : i32
      %dma_start3A_184 = tpu.memref_slice %arg7[%add3A_153, %dma_start3A_183] : memref<16384x128xf32, #tpu.memory_space<hbm>> -> memref<128x128xf32, #tpu.memory_space<hbm>>
      %dma_start3A_185 = arith.constant 0 : i32
      %dma_start3A_186 = arith.constant 0 : i32
      %dma_start3A_187 = tpu.memref_slice %arg11[%run_scoped3A_175, %dma_start3A_185, %dma_start3A_186] : memref<2x128x128xf32, #tpu.memory_space<vmem>> -> memref<1x128x128xf32, #tpu.memory_space<vmem>>
      %dma_start3A_188 = tpu.memref_squeeze %dma_start3A_187 : memref<1x128x128xf32, #tpu.memory_space<vmem>> -> memref<128x128xf32, #tpu.memory_space<vmem>>
      tpu.enqueue_dma source(%dma_start3A_188 : memref<128x128xf32, #tpu.memory_space<vmem>>) target(%dma_start3A_184 : memref<128x128xf32, #tpu.memory_space<hbm>>) target_semaphore(%run_scoped3A_176 : memref<!tpu.dma_semaphore, #tpu.memory_space<semaphore_mem>>)
      %dma_wait3A_189 = arith.constant 0 : i32
      %dma_wait3A_190 = arith.constant 0 : i32
      %dma_wait3A_191 = tpu.memref_slice %arg11[%run_scoped3A_175, %dma_wait3A_189, %dma_wait3A_190] : memref<2x128x128xf32, #tpu.memory_space<vmem>> -> memref<1x128x128xf32, #tpu.memory_space<vmem>>
      %dma_wait3A_192 = tpu.memref_squeeze %dma_wait3A_191 : memref<1x128x128xf32, #tpu.memory_space<vmem>> -> memref<128x128xf32, #tpu.memory_space<vmem>>
      %dma_wait3A_193 = arith.constant 0 : i32
      %dma_wait3A_194 = tpu.memref_slice %arg7[%add3A_153, %dma_wait3A_193] : memref<16384x128xf32, #tpu.memory_space<hbm>> -> memref<128x128xf32, #tpu.memory_space<hbm>>
      %dma_wait3A_195 = arith.constant 0 : i32
      %dma_wait3A_196 = tpu.memref_slice %arg7[%add3A_153, %dma_wait3A_195] : memref<16384x128xf32, #tpu.memory_space<hbm>> -> memref<128x128xf32, #tpu.memory_space<hbm>>
      %dma_wait3A_197 = arith.constant 0 : i32
      %dma_wait3A_198 = arith.constant 0 : i32
      %dma_wait3A_199 = tpu.memref_slice %arg11[%run_scoped3A_175, %dma_wait3A_197, %dma_wait3A_198] : memref<2x128x128xf32, #tpu.memory_space<vmem>> -> memref<1x128x128xf32, #tpu.memory_space<vmem>>
      %dma_wait3A_200 = tpu.memref_squeeze %dma_wait3A_199 : memref<1x128x128xf32, #tpu.memory_space<vmem>> -> memref<128x128xf32, #tpu.memory_space<vmem>>
      tpu.wait_dma2 semaphore(%run_scoped3A_176 : memref<!tpu.dma_semaphore, #tpu.memory_space<semaphore_mem>>) src(%dma_wait3A_200 : memref<128x128xf32, #tpu.memory_space<vmem>>) dst(%dma_wait3A_196 : memref<128x128xf32, #tpu.memory_space<hbm>>)
      tpu.yield
    }) : () -> ()
    return
  }
}

module attributes {stable_mosaic.version = 14 : i64} {
  func.func @_mlp_body(%arg0: i32, %arg1: memref<2048x128xf32, #tpu.memory_space<vmem>>, %arg2: memref<2048x128xf32, #tpu.memory_space<vmem>>, %arg3: memref<2048x2xf32, #tpu.memory_space<vmem>>, %arg4: memref<2048x2xf32, #tpu.memory_space<vmem>>, %arg5: memref<32x256xf32, #tpu.memory_space<vmem>>, %arg6: memref<32x256xf32, #tpu.memory_space<vmem>>, %arg7: memref<1x256xf32, #tpu.memory_space<vmem>>, %arg8: memref<256x1xf32, #tpu.memory_space<vmem>>, %arg9: memref<1x1xf32, #tpu.memory_space<vmem>>, %arg10: memref<2048x1xf32, #tpu.memory_space<vmem>>) attributes {dimension_semantics = [#tpu.dimension_semantics<arbitrary>], iteration_bounds = array<i64: 8>, scalar_prefetch = 0 : i64, scratch_operands = 0 : i64, tpu.core_type = #tpu.core_type<tc>, window_params = [{transform_indices = @transform_0, window_bounds = array<i64: 2048, 128>}, {transform_indices = @transform_1, window_bounds = array<i64: 2048, 128>}, {transform_indices = @transform_2, window_bounds = array<i64: 2048, 2>}, {transform_indices = @transform_3, window_bounds = array<i64: 2048, 2>}, {pipeline_mode = #tpu.pipeline_mode<synchronous>, transform_indices = @transform_4, window_bounds = array<i64: 32, 256>}, {pipeline_mode = #tpu.pipeline_mode<synchronous>, transform_indices = @transform_5, window_bounds = array<i64: 32, 256>}, {pipeline_mode = #tpu.pipeline_mode<synchronous>, transform_indices = @transform_6, window_bounds = array<i64: 1, 256>}, {pipeline_mode = #tpu.pipeline_mode<synchronous>, transform_indices = @transform_7, window_bounds = array<i64: 256, 1>}, {pipeline_mode = #tpu.pipeline_mode<synchronous>, transform_indices = @transform_8, window_bounds = array<i64: 1, 1>}, {transform_indices = @transform_9, window_bounds = array<i64: 2048, 1>}]} {
    %get3A = arith.constant 0 : index
    %get3A_0 = arith.constant 0 : index
    %get3A_1 = vector.load %arg3[%get3A, %get3A_0] : memref<2048x2xf32, #tpu.memory_space<vmem>>, vector<2048x2xf32>
    %get3A_2 = arith.constant 0 : index
    %get3A_3 = arith.constant 0 : index
    %get3A_4 = vector.load %arg4[%get3A_2, %get3A_3] : memref<2048x2xf32, #tpu.memory_space<vmem>>, vector<2048x2xf32>
    %slice3A = vector.extract_strided_slice %get3A_1 {offsets = [0, 0], sizes = [2048, 1], strides = [1, 1]} : vector<2048x2xf32> to vector<2048x1xf32>
    %get3A_5 = arith.constant 0 : index
    %get3A_6 = arith.constant 0 : index
    %get3A_7 = vector.load %arg1[%get3A_5, %get3A_6] : memref<2048x128xf32, #tpu.memory_space<vmem>>, vector<2048x32xf32>
    %mul3A = vector.broadcast %slice3A : vector<2048x1xf32> to vector<2048x32xf32>
    %mul3A_8 = arith.mulf %mul3A, %get3A_7 : vector<2048x32xf32>
    %slice3A_9 = vector.extract_strided_slice %get3A_1 {offsets = [0, 1], sizes = [2048, 1], strides = [1, 1]} : vector<2048x2xf32> to vector<2048x1xf32>
    %get3A_10 = arith.constant 0 : index
    %get3A_11 = arith.constant 32 : index
    %get3A_12 = vector.load %arg1[%get3A_10, %get3A_11] : memref<2048x128xf32, #tpu.memory_space<vmem>>, vector<2048x32xf32>
    %mul3A_13 = vector.broadcast %slice3A_9 : vector<2048x1xf32> to vector<2048x32xf32>
    %mul3A_14 = arith.mulf %mul3A_13, %get3A_12 : vector<2048x32xf32>
    %add3A = arith.addf %mul3A_8, %mul3A_14 : vector<2048x32xf32>
    %slice3A_15 = vector.extract_strided_slice %get3A_4 {offsets = [0, 0], sizes = [2048, 1], strides = [1, 1]} : vector<2048x2xf32> to vector<2048x1xf32>
    %get3A_16 = arith.constant 0 : index
    %get3A_17 = arith.constant 0 : index
    %get3A_18 = vector.load %arg2[%get3A_16, %get3A_17] : memref<2048x128xf32, #tpu.memory_space<vmem>>, vector<2048x32xf32>
    %mul3A_19 = vector.broadcast %slice3A_15 : vector<2048x1xf32> to vector<2048x32xf32>
    %mul3A_20 = arith.mulf %mul3A_19, %get3A_18 : vector<2048x32xf32>
    %slice3A_21 = vector.extract_strided_slice %get3A_4 {offsets = [0, 1], sizes = [2048, 1], strides = [1, 1]} : vector<2048x2xf32> to vector<2048x1xf32>
    %get3A_22 = arith.constant 0 : index
    %get3A_23 = arith.constant 32 : index
    %get3A_24 = vector.load %arg2[%get3A_22, %get3A_23] : memref<2048x128xf32, #tpu.memory_space<vmem>>, vector<2048x32xf32>
    %mul3A_25 = vector.broadcast %slice3A_21 : vector<2048x1xf32> to vector<2048x32xf32>
    %mul3A_26 = arith.mulf %mul3A_25, %get3A_24 : vector<2048x32xf32>
    %add3A_27 = arith.addf %mul3A_20, %mul3A_26 : vector<2048x32xf32>
    %get3A_28 = arith.constant 0 : index
    %get3A_29 = arith.constant 0 : index
    %get3A_30 = vector.load %arg5[%get3A_28, %get3A_29] : memref<32x256xf32, #tpu.memory_space<vmem>>, vector<32x256xf32>
    %dot_general3A = arith.constant dense<0.000000e+00> : vector<2048x256xf32>
    %dot_general3A_31 = tpu.matmul %add3A, %get3A_30, %dot_general3A {dimension_numbers = #tpu.dot_dimension_numbers<[1], [0], [0], [1], [0, 0, 1, 1], [], []>, transpose_lhs_hint = false} : vector<2048x32xf32>, vector<32x256xf32>, vector<2048x256xf32> -> vector<2048x256xf32>
    %get3A_32 = arith.constant 0 : index
    %get3A_33 = arith.constant 0 : index
    %get3A_34 = vector.load %arg6[%get3A_32, %get3A_33] : memref<32x256xf32, #tpu.memory_space<vmem>>, vector<32x256xf32>
    %dot_general3A_35 = arith.constant dense<0.000000e+00> : vector<2048x256xf32>
    %dot_general3A_36 = tpu.matmul %add3A_27, %get3A_34, %dot_general3A_35 {dimension_numbers = #tpu.dot_dimension_numbers<[1], [0], [0], [1], [0, 0, 1, 1], [], []>, transpose_lhs_hint = false} : vector<2048x32xf32>, vector<32x256xf32>, vector<2048x256xf32> -> vector<2048x256xf32>
    %add3A_37 = arith.addf %dot_general3A_31, %dot_general3A_36 : vector<2048x256xf32>
    %get3A_38 = arith.constant 0 : index
    %get3A_39 = arith.constant 0 : index
    %get3A_40 = vector.load %arg7[%get3A_38, %get3A_39] : memref<1x256xf32, #tpu.memory_space<vmem>>, vector<1x256xf32>
    %add3A_41 = vector.broadcast %get3A_40 : vector<1x256xf32> to vector<2048x256xf32>
    %add3A_42 = arith.addf %add3A_37, %add3A_41 : vector<2048x256xf32>
    %max3A = arith.constant 0.000000e+00 : f32
    %max3A_43 = vector.broadcast %max3A : f32 to vector<2048x256xf32>
    %max3A_44 = arith.maximumf %add3A_42, %max3A_43 : vector<2048x256xf32>
    %get3A_45 = arith.constant 0 : index
    %get3A_46 = arith.constant 0 : index
    %get3A_47 = vector.load %arg8[%get3A_45, %get3A_46] : memref<256x1xf32, #tpu.memory_space<vmem>>, vector<256x1xf32>
    %dot_general3A_48 = arith.constant dense<0.000000e+00> : vector<2048x1xf32>
    %dot_general3A_49 = tpu.matmul %max3A_44, %get3A_47, %dot_general3A_48 {dimension_numbers = #tpu.dot_dimension_numbers<[1], [0], [0], [1], [0, 0, 1, 1], [], []>, transpose_lhs_hint = false} : vector<2048x256xf32>, vector<256x1xf32>, vector<2048x1xf32> -> vector<2048x1xf32>
    %get3A_50 = arith.constant 0 : index
    %get3A_51 = arith.constant 0 : index
    %get3A_52 = vector.load %arg9[%get3A_50, %get3A_51] : memref<1x1xf32, #tpu.memory_space<vmem>>, vector<1x1xf32>
    %add3A_53 = vector.broadcast %get3A_52 : vector<1x1xf32> to vector<2048x1xf32>
    %add3A_54 = arith.addf %dot_general3A_49, %add3A_53 : vector<2048x1xf32>
    %swap3A = arith.constant 0 : index
    %swap3A_55 = arith.constant 0 : index
    %swap3A_56 = vector.load %arg10[%swap3A, %swap3A_55] : memref<2048x1xf32, #tpu.memory_space<vmem>>, vector<2048x1xf32>
    tpu.vector_store %arg10[%swap3A, %swap3A_55], %add3A_54 {strides = array<i32>} : memref<2048x1xf32, #tpu.memory_space<vmem>>, vector<2048x1xf32>,
    return
  }
  func.func @transform_0(%arg0: i32) -> (i32, i32) {
    %c0_i32 = arith.constant 0 : i32
    %c0_i32_0 = arith.constant 0 : i32
    return %arg0, %c0_i32 : i32, i32
  }
  func.func @transform_1(%arg0: i32) -> (i32, i32) {
    %c0_i32 = arith.constant 0 : i32
    %c0_i32_0 = arith.constant 0 : i32
    return %arg0, %c0_i32 : i32, i32
  }
  func.func @transform_2(%arg0: i32) -> (i32, i32) {
    %c0_i32 = arith.constant 0 : i32
    %c0_i32_0 = arith.constant 0 : i32
    return %arg0, %c0_i32 : i32, i32
  }
  func.func @transform_3(%arg0: i32) -> (i32, i32) {
    %c0_i32 = arith.constant 0 : i32
    %c0_i32_0 = arith.constant 0 : i32
    return %arg0, %c0_i32 : i32, i32
  }
  func.func @transform_4(%arg0: i32) -> (i32, i32) {
    %c0_i32 = arith.constant 0 : i32
    %c0_i32_0 = arith.constant 0 : i32
    %c0_i32_1 = arith.constant 0 : i32
    return %c0_i32, %c0_i32_0 : i32, i32
  }
  func.func @transform_5(%arg0: i32) -> (i32, i32) {
    %c0_i32 = arith.constant 0 : i32
    %c0_i32_0 = arith.constant 0 : i32
    %c0_i32_1 = arith.constant 0 : i32
    return %c0_i32, %c0_i32_0 : i32, i32
  }
  func.func @transform_6(%arg0: i32) -> (i32, i32) {
    %c0_i32 = arith.constant 0 : i32
    %c0_i32_0 = arith.constant 0 : i32
    %c0_i32_1 = arith.constant 0 : i32
    return %c0_i32, %c0_i32_0 : i32, i32
  }
  func.func @transform_7(%arg0: i32) -> (i32, i32) {
    %c0_i32 = arith.constant 0 : i32
    %c0_i32_0 = arith.constant 0 : i32
    %c0_i32_1 = arith.constant 0 : i32
    return %c0_i32, %c0_i32_0 : i32, i32
  }
  func.func @transform_8(%arg0: i32) -> (i32, i32) {
    %c0_i32 = arith.constant 0 : i32
    %c0_i32_0 = arith.constant 0 : i32
    %c0_i32_1 = arith.constant 0 : i32
    return %c0_i32, %c0_i32_0 : i32, i32
  }
  func.func @transform_9(%arg0: i32) -> (i32, i32) {
    %c0_i32 = arith.constant 0 : i32
    %c0_i32_0 = arith.constant 0 : i32
    return %arg0, %c0_i32 : i32, i32
  }
}

</mosaic_0001>

<sc_bundles>
// kernel: kernel.4.cloned.1.call-start
scs
__scs_entry_jumppad:
0x0: {  	(pc) =	sbr.rel $0x88, $3  }
0x1: {  	(tag) =	ssettag $0x0;
	lr =	simm.s32 $0x1  }
0x2: {  	[smem:$0x3F99] =	sst lr;
	_ =	strace $0xD0000000  }
0x3: {  	_ = 	snop  }
0x4: {  	_ = 	snop  }
0x5: {  	_ = 	snop  }
0x6: {  	_ = 	snop  }
0x7: {  	_ = 	snop  }
__scs_overlays_trampoline_lowered:
0x8: {  	[smem:$0x3FA8] =	sst s0  }
0x9: {  	[smem:$0x3FA9] =	sst s1  }
0xa: {  	[smem:$0x3FAA] =	sst s2  }
0xb: {  	[smem:$0x3FAB] =	sst s3  }
0xc: {  	[smem:$0x3FAC] =	sst s4  }
0xd: {  	[smem:$0x3FAD] =	sst s5  }
0xe: {  	[smem:$0x3FAE] =	sst s6  }
0xf: {  	[smem:$0x3FAF] =	sst s7  }
0x10: {  	[smem:$0x3FB0] =	sst s8  }
0x11: {  	[smem:$0x3FB1] =	sst s9;
	s0 =	simm.s32 @!p0 $0x0  }
0x12: {  	s1 =	sld [smem:$0x3F97];
	s0 =	simm.s32 @p0 $0x1  }
0x13: {  	[smem:$0x3FB2] =	sst s0;
	s0 =	simm.s32 @!p1 $0x0  }
0x14: {  	s2 =	sld [smem:$0x3F96];
	s0 =	simm.s32 @p1 $0x1  }
0x15: {  	[smem:$0x3FB3] =	sst s0;
	s0 =	simm.s32 @!p2 $0x0  }
0x16: {  	s3 =	sld [smem:$0x3FDB];
	s0 =	simm.s32 @p2 $0x1  }
0x17: {  	s4 =	simm.s32 $0x1BF5;
	[smem:$0x3FB5] =	sst s0  }
0x18: {  	s0 =	sld [smem:$0x3F98];
	_ =	swait.ge [sflag:s4], $0x0  }
0x19: {  	s7 =	sld [smem:$0x3F99]  }
0x1a: {  	s8 =	sadd.s32 $0xFFFFE003, lr  }
0x1b: {  	s9 =	sadd.s32 $0xFFFFFEF7, lr;
	s5 =	simm.s32 $0xFFFFFFFF;
	p2 =	slt.u32 s8, $0xFFFFF086  }
0x1c: {  	p1 =	slt.u32 s9, $0xF7A;
	s5 =	simm.s32 @!p2 $0x0  }
0x1d: {  	s5 =	simm.s32 @p1 $0x1;
	p0 =	seq.s32 s7, s2  }
0x1e: {  	s7 =	smul.u32 @!p0 $0xF7A, s2;
	p2 =	seq.s32 @!p0 s5, $0x0  }
0x1f: {  	s9 =	smul.u32 $0xF7A, s1;
	s8 =	simm.s32 @!p0 $0x1BF5;
	p2 =	por !p2, p0  }
0x20: {  	[sflag:s8] =	ssyncset.s32 @!p0 $0xFFFFF086;
	s6 =	sadd.s32 @!p0 s3, s7;
	s7 =	simm.s32 @!p0 $0x108  }
0x21: {  	s3 =	sadd.s32 s3, s9;
	s6 =	sadd.s32 @!p0 $0x88, s6;
	s7 =	simm.s32 @p2 $0x1082  }
0x22: {  	[simem:s7], [sflag:s8] =	dma.local @!p0 [hbm:s6], $0xF7A  }
0x23: {  	s9 =	sor.u32 $0xD0000000, s2;
	s6 =	simm.s32 $0x108;
	_ =	swait.ge @!p0 [sflag:s8], $0x0  }
0x24: {  	s3 =	sadd.s32 $0x88, s3;
	s6 =	simm.s32 @!p1 $0x1082;
	[sflag:s4] =	ssyncset.s32 $0xFFFFF086  }
0x25: {  	[simem:s6], [sflag:s4] =	dma.local [hbm:s3], $0xF7A  }
0x26: {  	[smem:$0x3F99] =	sst s1;
	(tag) =	ssettag s2;
	_ =	strace s9  }
0x27: {  	s1 =	sld [smem:$0x3FA9]  }
0x28: {  	s2 =	sld [smem:$0x3FAA]  }
0x29: {  	s4 =	sld [smem:$0x3FAC]  }
0x2a: {  	p0 =	seq.s32 s5, $0x0;
	s5 =	sld [smem:$0x3FAD]  }
0x2b: {  	s6 =	sld [smem:$0x3FAE]  }
0x2c: {  	s7 =	sld [smem:$0x3FAF]  }
0x2d: {  	s3 =	simm.s32 $0x108;
	s8 =	sld [smem:$0x3FB0]  }
0x2e: {  	s3 =	simm.s32 @!p0 $0x1082;
	s9 =	sld [smem:$0x3FB1]  }
0x2f: {  	lr =	sadd.s32 s0, s3;
	s0 =	sld [smem:$0x3FA8]  }
0x30: {  	s3 =	sld [smem:$0x3FAB]  }
0x31: {  	[smem:$0x3FB4] =	sst s10  }
0x32: {  	s10 =	sld [smem:$0x3FB2];
	_ =	sdelay $0x3  }
0x33: {  	p0 =	seq.s32 s10, $0x1;
	s10 =	sld [smem:$0x3FB4];
	_ =	sdelay $0x3  }
0x34: {  	[smem:$0x3FB4] =	sst s10  }
0x35: {  	s10 =	sld [smem:$0x3FB3];
	_ =	sdelay $0x3  }
0x36: {  	p1 =	seq.s32 s10, $0x1;
	s10 =	sld [smem:$0x3FB4];
	_ =	sdelay $0x3  }
0x37: {  	[smem:$0x3FB4] =	sst s10  }
0x38: {  	s10 =	sld [smem:$0x3FB5]  }
0x39: {  	_ = 	snop;
	(pc) =	sbr.ind lr, $3  }
0x3a: {  	_ = 	snop  }
0x3b: {  	_ = 	snop  }
0x3c: {  	p2 =	seq.s32 s10, $0x1;
	s10 =	sld [smem:$0x3FB4]  }
0x3d: {  	_ =	shalt  }
0x3e: {  	_ =	shalt  }
0x3f: {  	_ =	shalt  }
0x40: {  	_ =	shalt  }
0x41: {  	_ =	shalt  }
0x42: {  	_ =	shalt  }
0x43: {  	_ =	shalt  }
0x44: {  	_ =	shalt  }
0x45: {  	_ =	shalt  }
0x46: {  	_ =	shalt  }
0x47: {  	_ =	shalt  }
0x48: {  	_ =	shalt  }
0x49: {  	_ =	shalt  }
0x4a: {  	_ =	shalt  }
0x4b: {  	_ =	shalt  }
0x4c: {  	_ =	shalt  }
0x4d: {  	_ =	shalt  }
0x4e: {  	_ =	shalt  }
0x4f: {  	_ =	shalt  }
0x50: {  	_ =	shalt  }
0x51: {  	_ =	shalt  }
0x52: {  	_ =	shalt  }
0x53: {  	_ =	shalt  }
0x54: {  	_ =	shalt  }
0x55: {  	_ =	shalt  }
0x56: {  	_ =	shalt  }
0x57: {  	_ =	shalt  }
0x58: {  	_ =	shalt  }
0x59: {  	_ =	shalt  }
0x5a: {  	_ =	shalt  }
0x5b: {  	_ =	shalt  }
0x5c: {  	_ =	shalt  }
0x5d: {  	_ =	shalt  }
0x5e: {  	_ =	shalt  }
0x5f: {  	_ =	shalt  }
0x60: {  	_ =	shalt  }
0x61: {  	_ =	shalt  }
0x62: {  	_ =	shalt  }
0x63: {  	_ =	shalt  }
0x64: {  	_ =	shalt  }
0x65: {  	_ =	shalt  }
0x66: {  	_ =	shalt  }
0x67: {  	_ =	shalt  }
0x68: {  	_ =	shalt  }
0x69: {  	_ =	shalt  }
0x6a: {  	_ =	shalt  }
0x6b: {  	_ =	shalt  }
0x6c: {  	_ =	shalt  }
0x6d: {  	_ =	shalt  }
0x6e: {  	_ =	shalt  }
0x6f: {  	_ =	shalt  }
0x70: {  	_ =	shalt  }
0x71: {  	_ =	shalt  }
0x72: {  	_ =	shalt  }
0x73: {  	_ =	shalt  }
0x74: {  	_ =	shalt  }
0x75: {  	_ =	shalt  }
0x76: {  	_ =	shalt  }
0x77: {  	_ =	shalt  }
0x78: {  	_ =	shalt  }
0x79: {  	_ =	shalt  }
0x7a: {  	_ =	shalt  }
0x7b: {  	_ =	shalt  }
0x7c: {  	_ =	shalt  }
0x7d: {  	_ =	shalt  }
0x7e: {  	_ =	shalt  }
0x7f: {  	_ =	shalt  }
0x80: {  	_ =	shalt  }
0x81: {  	_ =	shalt  }
0x82: {  	_ =	shalt  }
0x83: {  	_ =	shalt  }
0x84: {  	_ =	shalt  }
0x85: {  	_ =	shalt  }
0x86: {  	_ =	shalt  }
0x87: {  	_ =	shalt  }
.Lfunc_end0:
.L_simem_size_0:
called_computation_lowered:
.L_overlay_start_0:
0x88: {  	s2 =	sld [smem:$0x3FD9]  }
0x89: {  	s3 =	sld [smem:$0x3FFE];
	_ =	sdelay $0x1  }
0x8a: {  	s1 =	srdreg.scid  }
0x8b: {  	s0 =	sand.u32 $0x1, s1  }
0x8c: {  	s16 =	sshll.u32 s0, $0xA;
	s2 =	sadd.s32 s3, s2  }
0x8d: {  	s2 =	sadd.s32 s2, s16  }
0x8e: {  	[smem:$0x3FC0] =	sst s2  }
0x8f: {  	_ = 	snop  }
0x90: {  	(tm) =	ssettm $0x1  }
0x91: {  	s17 =	sld [smem:$0x3FFB];
	_ =	sdelay $0x3  }
0x92: {  	_ =	strace s17  }
0x93: {  	s2 =	sld [smem:$0x3FFC];
	_ =	sdelay $0x3  }
0x94: {  	_ =	strace s2  }
0x95: {  	s2 =	sld [smem:$0x3FFD];
	_ =	sdelay $0x3  }
0x96: {  	_ =	strace s2  }
0x97: {  	_ =	strace $0x8FFFFFFF  }
0x98: {  	s18 =	sld [smem:$0x3FDB];
	_ =	sdelay $0x1  }
0x99: {  	s19 =	simm.s32 $_scs_section_size  }
0x9a: {  	s4 =	simm.s32 $_size__tile_overlayer_lowered;
	s5 =	simm.s32 $_tile_overlayer_lowered  }
0x9b: {  	s22 =	simm.s32 $0x1BFF;
	s21 =	sshll.u32 s5, $0x1;
	s2 =	sadd.s32 s19, s18  }
0x9c: {  	s6 =	simm.s32 $0x0;
	s20 =	sshll.u32 s4, $0x1;
	s4 =	sadd.s32 s21, s2  }
0x9d: {  	[timem:s6], [sflag:s22] =	dma.local [hbm:s4], s20  }
0x9e: {  	_ =	swait.ge [sflag:s22], s20  }
0x9f: {  	s3 =	ssub.s32 $0x0, s20;
	[sflag:s22] =	ssyncset.done $0x0  }
0xa0: {  	[sflag:s22] =	ssyncadd.s32 s3;
	_ =	sdelay $0x1  }
0xa1: {  	s23 =	simm.s32 $0x1B8B  }
0xa2: {  	_ =	swait.ge [sflag:s23], $0x1  }
0xa3: {  	[sflag:s23] =	ssyncset.done $0x0  }
0xa4: {  	s25 =	simm.s32 $0x1B8E;
	s24 =	sld [smem:$0x3FFE];
	[sflag:s23] =	ssyncadd.s32 $0xFFFFFFFF  }
0xa5: {  	s26 =	simm.s32 $execute0_lowered;
	[smem:$0x3FD2] =	sst s25  }
0xa6: {  	s4 =	sshll.u32 s26, $0x1;
	_ =	strace $0x80000046;
	[dreg:$0x1] =	wrdreg $0xFFFFFFFF  }
0xa7: {  	s28 =	simm.s32 $_size_execute0_lowered;
	s2 =	sadd.s32 s2, s4;
	[dreg:$0x0] =	wrdreg $0x0  }
0xa8: {  	s4 =	sshll.u32 s28, $0x1;
	[dreg:$0x2] =	wrdreg s2  }
0xa9: {  	[dreg:$0x3] =	wrdreg s4  }
0xaa: {  	[dreg:$0x4] =	wrdreg $0xC0  }
0xab: {  	_ =	task [dreg:s6], $0x5FFFF  }
0xac: {  	[dreg:$0x1] =	wrdreg $0xFFFFFFFF  }
0xad: {  	[dreg:$0x0] =	wrdreg $0x60  }
0xae: {  	[dreg:$0x2] =	wrdreg s24  }
0xaf: {  	[dreg:$0x3] =	wrdreg $0x9  }
0xb0: {  	_ =	task.clear_ibuf [dreg:s6], $0x4FFFF;
	_ =	strace $0x90000046  }
0xb1: {  	s29 =	simm.s32 $0x9;
	_ =	strace $0x80000048  }
0xb2: {  	_ =	swait.ge [sflag:s29], $0x1  }
0xb3: {  	[sflag:s29] =	ssyncadd.s32 $0xFFFFFFFF  }
0xb4: {  	_ =	strace $0x90000048  }
0xb5: {  	_ =	sfence  }
0xb6: {  	s30 =	sld [smem:$0x0];
	_ =	sdelay $0x2  }
0xb7: {  	s31 =	sshll.u32 s1, $0xD;
	s1 =	sshrl.u32 s1, $0x2  }
0xb8: {  	s3 =	sand.u32 $0x4000, s31;
	s1 =	sadd.s32 s1, s30  }
0xb9: {  	s0 =	sor.u32 s3, s0;
	s1 =	sshll.u32 s1, $0x11  }
0xba: {  	s0 =	sor.u32 s1, s0  }
0xbb: {  	s0 =	sadd.s32 $0x8F2B, s0  }
0xbc: {  	[sflag:s0] =	ssyncadd.remote.s32 $0x1  }
0xbd: {  	_ =	sfence.sel $0xFFFF  }
0xbe: {  	[dreg:$0x0] =	wrdreg $0xFFFFFFFF;
	(pc) =	sbr.abs _section_cstart, $3  }
0xbf: {  	[dreg:$0x1] =	wrdreg $0xFFFFFFFF  }
0xc0: {  	_ =	task.clear_ibuf [dreg:s6], $0x2FFFF;
	_ =	strace $0x9FFFFFFF  }
0xc1: {  	(tm) =	ssettm $0x7FFFFFFF  }
tec
execute0_lowered:
.L_overlay_start_1:
0x0: {  	(tag) =	ssettag $0x1  }
0x1: {  	s1 =	srdreg.scid  }
0x2: {  	s0 =	stileid.u32;
	s28 =	sand.u32 $0x1, s1  }
0x3: {  	s31 =	sshll.u32 s0, $0xA;
	s2 =	sshll.u32 s28, $0x9  }
0x4: {  	s17 =	rddreg [dreg:$0x0];
	s16 =	sor.u32 s2, s31  }
0x5: {  	s1 =	rddreg [dreg:$0x1];
	s2 =	simm.s32 $0x0;
	s3 =	sshrl.u32 s16, $0x3  }
0x6: {  	[smem:$0x7FF] =	sst s2;
	s5 =	sadd.s32 s3, s17  }
0x7: {  	_ =	strace $0x80000047;
	s3 =	simm.s32 $0x2;
	s4 =	sadd.s32 $0x867200, s5  }
0x8: {  	[tilespmem:s2], [sflag:$0x2] =	stream.linear.gather [hbm4b:s4+s2], $0x200, $0x38;
	[tilespmem:$0x10400] =	vst v63  }
0x9: {  	_ =	swait.ge [sflag:s3], $0x200  }
0xa: {  	[sflag:s3] =	ssyncset.done $0x0  }
0xb: {  	s6 =	simm.s32 $0x200;
	s5 =	sadd.s32 $0x866A00, s5;
	[sflag:s3] =	ssyncadd.s32 $0xFFFFFE00  }
0xc: {  	[tilespmem:s6], [sflag:$0x2] =	stream.linear.gather [hbm4b:s5+s2], $0x200, $0x38;
	[tilespmem:$0x10400] =	vst v63  }
0xd: {  	_ =	swait.ge [sflag:s3], $0x200  }
0xe: {  	s8 =	simm.s32 $0x80;
	[sflag:s3] =	ssyncset.done $0x0  }
0xf: {  	s9 =	simm.s32 $0x400;
	s7 =	sadd.s32 $0x1A00, s17;
	[sflag:s3] =	ssyncadd.s32 $0xFFFFFE00  }
0x10: {  	[tilespmem:s9], [sflag:$0x1] =	stream.indirect.gather [hbm4b:s7+s8], $0x80, s2, s8, $0xb8;
	[tilespmem:$0x10400] =	vst v63  }
0x11: {  	s11 =	simm.s32 $0x8400;
	s10 =	sadd.s32 $0x7A2C00, s17  }
0x12: {  	[tilespmem:s11], [sflag:$0x1] =	stream.indirect.gather [hbm4b:s10+s8], $0x80, s6, s8, $0xb8;
	[tilespmem:$0x10400] =	vst v63  }
0x13: {  	s12 =	simm.s32 $0x4400  }
0x14: {  	[tilespmem:s12], [sflag:$0x1] =	stream.indirect.gather [hbm4b:s7+s8], $0x80, s8, s8, $0xb8;
	[tilespmem:$0x10400] =	vst v63  }
0x15: {  	s13 =	simm.s32 $0x280;
	s14 =	simm.s32 $0xC400;
	s15 =	simm.s32 $0x1  }
0x16: {  	[tilespmem:s14], [sflag:$0x1] =	stream.indirect.gather [hbm4b:s10+s8], $0x80, s13, s8, $0xb8;
	[tilespmem:$0x10400] =	vst v63  }
0x17: {  	_ =	swait.ge [sflag:s15], $0x4000  }
0x18: {  	s26 =	sadd.s32 $0x867A00, s17;
	s30 =	sshll.u32 s16, $0x4;
	[sflag:s15] =	ssyncset.done $0x0  }
0x19: {  	s16 =	sadd.s32 s26, s30;
	[sflag:s15] =	ssyncadd.s32 $0xFFFFC000  }
0x1a: {  	[hbm4b:s16+s2] =	stream.linear.scatter [tilespmem:s9], [sflag:$0x2], $0x4000, $0x38;
	[tilespmem:$0x10400] =	vst v63  }
0x1b: {  	_ =	swait.ge [sflag:s3], $0x4000  }
0x1c: {  	[sflag:s3] =	ssyncset.done $0x0  }
0x1d: {  	[sflag:s3] =	ssyncadd.s32 $0xFFFFC000  }
0x1e: {  	_ =	swait.ge [sflag:s15], $0x4000  }
0x1f: {  	s29 =	sadd.s32 $0x8A7A00, s17;
	[sflag:s15] =	ssyncset.done $0x0  }
0x20: {  	s17 =	sadd.s32 s29, s30;
	[sflag:s15] =	ssyncadd.s32 $0xFFFFC000  }
0x21: {  	[hbm4b:s17+s2] =	stream.linear.scatter [tilespmem:s11], [sflag:$0x2], $0x4000, $0x38;
	[tilespmem:$0x10400] =	vst v63  }
0x22: {  	_ =	swait.ge [sflag:s3], $0x4000  }
0x23: {  	[sflag:s3] =	ssyncset.done $0x0  }
0x24: {  	s18 =	simm.s32 $0x100;
	[sflag:s3] =	ssyncadd.s32 $0xFFFFC000  }
0x25: {  	[tilespmem:s9], [sflag:$0x1] =	stream.indirect.gather [hbm4b:s7+s8], $0x80, s18, s8, $0xb8;
	[tilespmem:$0x10400] =	vst v63  }
0x26: {  	s19 =	simm.s32 $0x300  }
0x27: {  	[tilespmem:s11], [sflag:$0x1] =	stream.indirect.gather [hbm4b:s10+s8], $0x80, s19, s8, $0xb8;
	[tilespmem:$0x10400] =	vst v63  }
0x28: {  	_ =	swait.ge [sflag:s15], $0x4000  }
0x29: {  	s21 =	sor.u32 $0x800, s30;
	[sflag:s15] =	ssyncset.done $0x0  }
0x2a: {  	s20 =	sadd.s32 s26, s21;
	[sflag:s15] =	ssyncadd.s32 $0xFFFFC000  }
0x2b: {  	[hbm4b:s20+s2] =	stream.linear.scatter [tilespmem:s12], [sflag:$0x2], $0x4000, $0x38;
	[tilespmem:$0x10400] =	vst v63  }
0x2c: {  	_ =	swait.ge [sflag:s3], $0x4000  }
0x2d: {  	[sflag:s3] =	ssyncset.done $0x0  }
0x2e: {  	[sflag:s3] =	ssyncadd.s32 $0xFFFFC000  }
0x2f: {  	_ =	swait.ge [sflag:s15], $0x4000  }
0x30: {  	[sflag:s15] =	ssyncset.done $0x0  }
0x31: {  	s21 =	sadd.s32 s29, s21;
	[sflag:s15] =	ssyncadd.s32 $0xFFFFC000  }
0x32: {  	[hbm4b:s21+s2] =	stream.linear.scatter [tilespmem:s14], [sflag:$0x2], $0x4000, $0x38;
	[tilespmem:$0x10400] =	vst v63  }
0x33: {  	_ =	swait.ge [sflag:s3], $0x4000  }
0x34: {  	[sflag:s3] =	ssyncset.done $0x0  }
0x35: {  	s22 =	simm.s32 $0x180;
	[sflag:s3] =	ssyncadd.s32 $0xFFFFC000  }
0x36: {  	[tilespmem:s12], [sflag:$0x1] =	stream.indirect.gather [hbm4b:s7+s8], $0x80, s22, s8, $0xb8;
	[tilespmem:$0x10400] =	vst v63  }
0x37: {  	s23 =	simm.s32 $0x380  }
0x38: {  	[tilespmem:s14], [sflag:$0x1] =	stream.indirect.gather [hbm4b:s10+s8], $0x80, s23, s8, $0xb8;
	[tilespmem:$0x10400] =	vst v63  }
0x39: {  	_ =	swait.ge [sflag:s15], $0x4000  }
0x3a: {  	s25 =	sor.u32 $0x1000, s30;
	[sflag:s15] =	ssyncset.done $0x0  }
0x3b: {  	s24 =	sadd.s32 s26, s25;
	[sflag:s15] =	ssyncadd.s32 $0xFFFFC000  }
0x3c: {  	[hbm4b:s24+s2] =	stream.linear.scatter [tilespmem:s9], [sflag:$0x2], $0x4000, $0x38;
	[tilespmem:$0x10400] =	vst v63  }
0x3d: {  	_ =	swait.ge [sflag:s3], $0x4000  }
0x3e: {  	[sflag:s3] =	ssyncset.done $0x0  }
0x3f: {  	[sflag:s3] =	ssyncadd.s32 $0xFFFFC000  }
0x40: {  	_ =	swait.ge [sflag:s15], $0x4000  }
0x41: {  	[sflag:s15] =	ssyncset.done $0x0  }
0x42: {  	s25 =	sadd.s32 s29, s25;
	[sflag:s15] =	ssyncadd.s32 $0xFFFFC000  }
0x43: {  	[hbm4b:s25+s2] =	stream.linear.scatter [tilespmem:s11], [sflag:$0x2], $0x4000, $0x38;
	[tilespmem:$0x10400] =	vst v63  }
0x44: {  	_ =	swait.ge [sflag:s3], $0x4000  }
0x45: {  	[sflag:s3] =	ssyncset.done $0x0  }
0x46: {  	[sflag:s3] =	ssyncadd.s32 $0xFFFFC000  }
0x47: {  	_ =	swait.ge [sflag:s15], $0x4000  }
0x48: {  	s30 =	sor.u32 $0x1800, s30;
	[sflag:s15] =	ssyncset.done $0x0  }
0x49: {  	s28 =	ssub.s32 $0x2, s28;
	s26 =	sadd.s32 s26, s30;
	[sflag:s15] =	ssyncadd.s32 $0xFFFFC000  }
0x4a: {  	[hbm4b:s26+s2] =	stream.linear.scatter [tilespmem:s12], [sflag:$0x2], $0x4000, $0x38;
	[tilespmem:$0x10400] =	vst v63  }
0x4b: {  	s31 =	sshrl.u32 s28, $0x1;
	_ =	swait.ge [sflag:s3], $0x4000  }
0x4c: {  	s31 =	ssub.s32 s28, s31;
	[sflag:s3] =	ssyncset.done $0x0  }
0x4d: {  	s28 =	sadd.s32 s29, s30;
	s29 =	smax.u32 s31, $0x1;
	[sflag:s3] =	ssyncadd.s32 $0xFFFFC000  }
0x4e: {  	p0 =	sne.s32 s29, $0x1;
	_ =	swait.ge [sflag:s15], $0x4000  }
.Ltmp0:
0x4f: {  	[sflag:s15] =	ssyncset.done $0x0;
	(pc) =	sbr.rel @!p0 .LBB2_2-.Ltmp0, $4  }
0x50: {  	[sflag:s15] =	ssyncadd.s32 $0xFFFFC000  }
0x51: {  	[hbm4b:s28+s2] =	stream.linear.scatter [tilespmem:s14], [sflag:$0x2], $0x4000, $0x38;
	[tilespmem:$0x10400] =	vst v63  }
0x52: {  	_ =	swait.ge [sflag:s3], $0x4000  }
0x53: {  	s29 =	sadd.s32 $0xFFFFFFFF, s29;
	[sflag:s3] =	ssyncset.done $0x0  }
.LBB2_1:
0x54: {  	p0 =	sne.s32 s29, $0x1;
	s29 =	sadd.s32 $0xFFFFFFFF, s29;
	[sflag:s3] =	ssyncadd.s32 $0xFFFFC000  }
0x55: {  	[tilespmem:s2], [sflag:$0x2] =	stream.linear.gather [hbm4b:s4+s2], $0x200, $0x38;
	[tilespmem:$0x10400] =	vst v63  }
0x56: {  	_ =	swait.ge [sflag:s3], $0x200  }
0x57: {  	[sflag:s3] =	ssyncset.done $0x0  }
0x58: {  	[sflag:s3] =	ssyncadd.s32 $0xFFFFFE00  }
0x59: {  	[tilespmem:s6], [sflag:$0x2] =	stream.linear.gather [hbm4b:s5+s2], $0x200, $0x38;
	[tilespmem:$0x10400] =	vst v63  }
0x5a: {  	_ =	swait.ge [sflag:s3], $0x200  }
0x5b: {  	[sflag:s3] =	ssyncset.done $0x0  }
0x5c: {  	[sflag:s3] =	ssyncadd.s32 $0xFFFFFE00  }
0x5d: {  	[tilespmem:s9], [sflag:$0x1] =	stream.indirect.gather [hbm4b:s7+s8], $0x80, s2, s8, $0xb8;
	[tilespmem:$0x10400] =	vst v63  }
0x5e: {  	_ = 	snop  }
0x5f: {  	[tilespmem:s11], [sflag:$0x1] =	stream.indirect.gather [hbm4b:s10+s8], $0x80, s6, s8, $0xb8;
	[tilespmem:$0x10400] =	vst v63  }
0x60: {  	_ = 	snop  }
0x61: {  	[tilespmem:s12], [sflag:$0x1] =	stream.indirect.gather [hbm4b:s7+s8], $0x80, s8, s8, $0xb8;
	[tilespmem:$0x10400] =	vst v63  }
0x62: {  	_ = 	snop  }
0x63: {  	[tilespmem:s14], [sflag:$0x1] =	stream.indirect.gather [hbm4b:s10+s8], $0x80, s13, s8, $0xb8;
	[tilespmem:$0x10400] =	vst v63  }
0x64: {  	_ =	swait.ge [sflag:s15], $0x4000  }
0x65: {  	[sflag:s15] =	ssyncset.done $0x0  }
0x66: {  	[sflag:s15] =	ssyncadd.s32 $0xFFFFC000  }
0x67: {  	[hbm4b:s16+s2] =	stream.linear.scatter [tilespmem:s9], [sflag:$0x2], $0x4000, $0x38;
	[tilespmem:$0x10400] =	vst v63  }
0x68: {  	_ =	swait.ge [sflag:s3], $0x4000  }
0x69: {  	[sflag:s3] =	ssyncset.done $0x0  }
0x6a: {  	[sflag:s3] =	ssyncadd.s32 $0xFFFFC000  }
0x6b: {  	_ =	swait.ge [sflag:s15], $0x4000  }
0x6c: {  	[sflag:s15] =	ssyncset.done $0x0  }
0x6d: {  	[sflag:s15] =	ssyncadd.s32 $0xFFFFC000  }
0x6e: {  	[hbm4b:s17+s2] =	stream.linear.scatter [tilespmem:s11], [sflag:$0x2], $0x4000, $0x38;
	[tilespmem:$0x10400] =	vst v63  }
0x6f: {  	_ =	swait.ge [sflag:s3], $0x4000  }
0x70: {  	[sflag:s3] =	ssyncset.done $0x0  }
0x71: {  	[sflag:s3] =	ssyncadd.s32 $0xFFFFC000  }
0x72: {  	[tilespmem:s9], [sflag:$0x1] =	stream.indirect.gather [hbm4b:s7+s8], $0x80, s18, s8, $0xb8;
	[tilespmem:$0x10400] =	vst v63  }
0x73: {  	_ = 	snop  }
0x74: {  	[tilespmem:s11], [sflag:$0x1] =	stream.indirect.gather [hbm4b:s10+s8], $0x80, s19, s8, $0xb8;
	[tilespmem:$0x10400] =	vst v63  }
0x75: {  	_ =	swait.ge [sflag:s15], $0x4000  }
0x76: {  	[sflag:s15] =	ssyncset.done $0x0  }
0x77: {  	[sflag:s15] =	ssyncadd.s32 $0xFFFFC000  }
0x78: {  	[hbm4b:s20+s2] =	stream.linear.scatter [tilespmem:s12], [sflag:$0x2], $0x4000, $0x38;
	[tilespmem:$0x10400] =	vst v63  }
0x79: {  	_ =	swait.ge [sflag:s3], $0x4000  }
0x7a: {  	[sflag:s3] =	ssyncset.done $0x0  }
0x7b: {  	[sflag:s3] =	ssyncadd.s32 $0xFFFFC000  }
0x7c: {  	_ =	swait.ge [sflag:s15], $0x4000  }
0x7d: {  	[sflag:s15] =	ssyncset.done $0x0  }
0x7e: {  	[sflag:s15] =	ssyncadd.s32 $0xFFFFC000  }
0x7f: {  	[hbm4b:s21+s2] =	stream.linear.scatter [tilespmem:s14], [sflag:$0x2], $0x4000, $0x38;
	[tilespmem:$0x10400] =	vst v63  }
0x80: {  	_ =	swait.ge [sflag:s3], $0x4000  }
0x81: {  	[sflag:s3] =	ssyncset.done $0x0  }
0x82: {  	[sflag:s3] =	ssyncadd.s32 $0xFFFFC000  }
0x83: {  	[tilespmem:s12], [sflag:$0x1] =	stream.indirect.gather [hbm4b:s7+s8], $0x80, s22, s8, $0xb8;
	[tilespmem:$0x10400] =	vst v63  }
0x84: {  	_ = 	snop  }
0x85: {  	[tilespmem:s14], [sflag:$0x1] =	stream.indirect.gather [hbm4b:s10+s8], $0x80, s23, s8, $0xb8;
	[tilespmem:$0x10400] =	vst v63  }
0x86: {  	_ =	swait.ge [sflag:s15], $0x4000  }
0x87: {  	[sflag:s15] =	ssyncset.done $0x0  }
0x88: {  	[sflag:s15] =	ssyncadd.s32 $0xFFFFC000  }
0x89: {  	[hbm4b:s24+s2] =	stream.linear.scatter [tilespmem:s9], [sflag:$0x2], $0x4000, $0x38;
	[tilespmem:$0x10400] =	vst v63  }
0x8a: {  	_ =	swait.ge [sflag:s3], $0x4000  }
0x8b: {  	[sflag:s3] =	ssyncset.done $0x0  }
0x8c: {  	[sflag:s3] =	ssyncadd.s32 $0xFFFFC000  }
0x8d: {  	_ =	swait.ge [sflag:s15], $0x4000  }
0x8e: {  	[sflag:s15] =	ssyncset.done $0x0  }
0x8f: {  	[sflag:s15] =	ssyncadd.s32 $0xFFFFC000  }
0x90: {  	[hbm4b:s25+s2] =	stream.linear.scatter [tilespmem:s11], [sflag:$0x2], $0x4000, $0x38;
	[tilespmem:$0x10400] =	vst v63  }
0x91: {  	_ =	swait.ge [sflag:s3], $0x4000  }
0x92: {  	[sflag:s3] =	ssyncset.done $0x0  }
0x93: {  	[sflag:s3] =	ssyncadd.s32 $0xFFFFC000  }
0x94: {  	_ =	swait.ge [sflag:s15], $0x4000  }
0x95: {  	[sflag:s15] =	ssyncset.done $0x0  }
0x96: {  	[sflag:s15] =	ssyncadd.s32 $0xFFFFC000  }
0x97: {  	[hbm4b:s26+s2] =	stream.linear.scatter [tilespmem:s12], [sflag:$0x2], $0x4000, $0x38;
	[tilespmem:$0x10400] =	vst v63  }
0x98: {  	_ =	swait.ge [sflag:s3], $0x4000  }
0x99: {  	[sflag:s3] =	ssyncset.done $0x0  }
0x9a: {  	[sflag:s3] =	ssyncadd.s32 $0xFFFFC000  }
0x9b: {  	_ =	swait.ge [sflag:s15], $0x4000  }
.Ltmp1:
0x9c: {  	[sflag:s15] =	ssyncset.done $0x0;
	(pc) =	sbr.rel @p0 .LBB2_1-.Ltmp1, $4  }
0x9d: {  	[sflag:s15] =	ssyncadd.s32 $0xFFFFC000  }
0x9e: {  	[hbm4b:s28+s2] =	stream.linear.scatter [tilespmem:s14], [sflag:$0x2], $0x4000, $0x38;
	[tilespmem:$0x10400] =	vst v63  }
0x9f: {  	_ =	swait.ge [sflag:s3], $0x4000  }
0xa0: {  	[sflag:s3] =	ssyncset.done $0x0  }
.LBB2_2:
0xa1: {  	[sflag:s3] =	ssyncadd.s32 $0xFFFFC000  }
0xa2: {  	_ =	sfence.sel $0x180000  }
0xa3: {  	[bflag:$0x0] =	sbarrier.arrive $0xFFFF  }
0xa4: {  	p0 =	sne.s32 s0, $0x0;
	_ =	strace $0x90000047  }
0xa5: {  	s0 =	sadd.s32 @!p0 $0x100000, s1;
	[bflag:$0x2] =	sbarrier.arrive $0xFFFF  }
0xa6: {  	[sflag:s0] =	ssyncadd.tile.s32 @!p0 $0x1;
	_ =	shalt  }
.Lfunc_end2:
_tile_overlayer_lowered:
.L_overlay_start_2:
0xa7: {  	(tag) =	ssettag $0x2  }
0xa8: {  	s0 =	rddreg [dreg:$0x0];
	s2 =	stileid.u32  }
0xa9: {  	s1 =	rddreg [dreg:$0x1];
	p0 =	sne.s32 s2, $0x0  }
0xaa: {  	s3 =	rddreg [dreg:$0x2];
	[bflag:$0x3] =	sbarrier.arrive $0xFFFF;
	s2 =	simm.s32 @!p0 $0x1C02  }
0xab: {  	[timem:s3], [sflag:s2] =	dma.local @!p0 [hbm:s0], s1  }
0xac: {  	s0 =	simm.s32 @!p0 $0x2  }
0xad: {  	_ =	swait.ge @!p0 [sflag:s0], s1  }
0xae: {  	s1 =	ssub.s32 @!p0 $0x0, s1;
	[sflag:s0] =	ssyncset.done @!p0 $0x0  }
0xaf: {  	[sflag:s0] =	ssyncadd.s32 @!p0 s1  }
0xb0: {  	[bflag:$0x3] =	sbarrier.arrive $0xFFFF  }
0xb1: {  	_ =	shalt  }

</sc_bundles>
